<compile_context>
chip_gen: v7x
topology: tpu7x:2x2x1
jax: 0.10.2.dev20260603
libtpu: 0.0.44.dev20260713+nightly
codegen_flags: <defaults>
</compile_context>

<pallas_src>
import functools

import jax
import jax.numpy as jnp
from jax import lax
from jax.experimental import pallas as pl
from jax.experimental.pallas import tpu as pltpu
from jax.experimental.pallas import tpu_sc as plsc

NC = 2
NS = 16
NW = NC * NS


@functools.lru_cache(maxsize=None)
def _build_lookup(nb, ns, vocab, d_model, dtype_name):
    dtype = jnp.dtype(dtype_name)
    total = nb * ns
    w_per_row = NW // nb
    b_per_w = total // NW
    chunk = 16
    nchunk = b_per_w // chunk
    nbuf = 6
    assert b_per_w % chunk == 0 and chunk % 8 == 0

    mesh = plsc.VectorSubcoreMesh(core_axis_name="c", subcore_axis_name="s")

    @functools.partial(
        pl.kernel,
        mesh=mesh,
        out_type=jax.ShapeDtypeStruct((total, d_model), dtype),
        scratch_types=(
            [pltpu.VMEM((b_per_w,), jnp.int32)]
            + [pltpu.VMEM((chunk, d_model), dtype) for _ in range(nbuf)]
            + [pltpu.SemaphoreType.DMA for _ in range(2 * nbuf)]
        ),
    )
    def lookup(ids_hbm, table_hbm, out_hbm, idx_v, *bufs_and_sems):
        rows = list(bufs_and_sems[:nbuf])
        gsem = list(bufs_and_sems[nbuf:2 * nbuf])
        wsem = list(bufs_and_sems[2 * nbuf:])
        wid = lax.axis_index("s") * NC + lax.axis_index("c")
        base = wid * b_per_w
        row = wid // w_per_row
        col = (wid % w_per_row) * b_per_w
        pltpu.sync_copy(ids_hbm.at[row, pl.ds(col, b_per_w)], idx_v)

        gcp = [None] * nbuf
        wcp = [None] * nbuf

        def start_gather(c):
            b = c % nbuf
            gcp[b] = pltpu.async_copy(
                table_hbm.at[idx_v.at[pl.ds(c * chunk, chunk)]],
                rows[b], gsem[b])

        def start_write(c):
            b = c % nbuf
            wcp[b] = pltpu.async_copy(
                rows[b], out_hbm.at[pl.ds(base + c * chunk, chunk)], wsem[b])

        for c in range(min(nbuf - 1, nchunk)):
            start_gather(c)
        for c in range(nchunk):
            b = c % nbuf
            nxt = c + nbuf - 1
            if nxt < nchunk:
                if nxt - nbuf >= 0:
                    wcp[nxt % nbuf].wait()
                start_gather(nxt)
            gcp[b].wait()
            start_write(c)
        for c in range(max(0, nchunk - nbuf), nchunk):
            wcp[c % nbuf].wait()

    return lookup


def kernel(input_ids, word_embeddings):
    b, s = input_ids.shape
    vocab, d_model = word_embeddings.shape
    ids = input_ids.astype(jnp.int32)
    lookup = _build_lookup(b, s, vocab, d_model, word_embeddings.dtype.name)
    out = lookup(ids, word_embeddings)
    return out.reshape(b, s, d_model)

# --- scband reference (transcript-rebuilt; emitter-appended) ---
"""Pipeline reference for scband-token-embeddings-56942676410687 (READ-ONLY COPY).

The authoritative reference and input builder live on the scoring server;
editing this copy changes nothing except your own understanding.
"""

import jax, jax.numpy as jnp
import numpy as np

VOCAB_SIZE = 100000
D_MODEL = 1024
BATCH = 4
SEQ_LEN = 4096


def setup_inputs(seed: int = 0) -> dict:
    key = jax.random.key(seed)
    k_idx, k_emb = jax.random.split(key)
    input_ids = jax.random.randint(k_idx, (BATCH, SEQ_LEN), 0, VOCAB_SIZE, dtype=jnp.int64 if jax.config.jax_enable_x64 else jnp.int32)
    # nn.Embedding default init: N(0, 1)
    word_embeddings = jax.random.normal(k_emb, (VOCAB_SIZE, D_MODEL), dtype=jnp.float32)
    return {"input_ids": input_ids, "word_embeddings": word_embeddings}


def reference(input_ids, word_embeddings):
    # Faithful translation of nn.Embedding lookup: out[b, s, :] = table[input_ids[b, s], :]
    return jnp.take(word_embeddings, input_ids, axis=0)

if __name__ == "__main__":
    import jax
    _d = setup_inputs()
    print(jax.jit(kernel)(*tuple(_d.values())))

</pallas_src>

<mosaic_0001>
#map = affine_map<(d0, d1) -> (0, 0)>
module attributes {stable_mosaic.version = 14 : i64} {
  func.func @lookup(%arg0: i32, %arg1: i32, %arg2: memref<4x4096xi32, #tpu.memory_space<hbm>>, %arg3: memref<100000x1024xf32, #tpu.memory_space<hbm>>, %arg4: memref<16384x1024xf32, #tpu.memory_space<hbm>>, %arg5: memref<512xi32, #tpu.memory_space<vmem>>, %arg6: memref<16x1024xf32, #tpu.memory_space<vmem>>, %arg7: memref<16x1024xf32, #tpu.memory_space<vmem>>, %arg8: memref<16x1024xf32, #tpu.memory_space<vmem>>, %arg9: memref<16x1024xf32, #tpu.memory_space<vmem>>, %arg10: memref<16x1024xf32, #tpu.memory_space<vmem>>, %arg11: memref<16x1024xf32, #tpu.memory_space<vmem>>, %arg12: memref<!tpu.dma_semaphore, #tpu.memory_space<semaphore_mem>>, %arg13: memref<!tpu.dma_semaphore, #tpu.memory_space<semaphore_mem>>, %arg14: memref<!tpu.dma_semaphore, #tpu.memory_space<semaphore_mem>>, %arg15: memref<!tpu.dma_semaphore, #tpu.memory_space<semaphore_mem>>, %arg16: memref<!tpu.dma_semaphore, #tpu.memory_space<semaphore_mem>>, %arg17: memref<!tpu.dma_semaphore, #tpu.memory_space<semaphore_mem>>, %arg18: memref<!tpu.dma_semaphore, #tpu.memory_space<semaphore_mem>>, %arg19: memref<!tpu.dma_semaphore, #tpu.memory_space<semaphore_mem>>, %arg20: memref<!tpu.dma_semaphore, #tpu.memory_space<semaphore_mem>>, %arg21: memref<!tpu.dma_semaphore, #tpu.memory_space<semaphore_mem>>, %arg22: memref<!tpu.dma_semaphore, #tpu.memory_space<semaphore_mem>>, %arg23: memref<!tpu.dma_semaphore, #tpu.memory_space<semaphore_mem>>) attributes {dimension_semantics = [#tpu.dimension_semantics<core_parallel>, #tpu.dimension_semantics<subcore_parallel>], iteration_bounds = array<i64: 2, 16>, scalar_prefetch = 0 : i64, scratch_operands = 19 : i64, tpu.core_type = #tpu.core_type<sc_vector_subcore>, window_params = [{transform_indices = #map}, {transform_indices = #map}, {transform_indices = #map}]} {
    %mul3A = arith.constant 2 : i32
    %mul3A_0 = arith.muli %arg1, %mul3A : i32
    %add3A = arith.addi %mul3A_0, %arg0 : i32
    %mul3A_1 = arith.constant 512 : i32
    %mul3A_2 = arith.muli %add3A, %mul3A_1 : i32
    %jit3A = arith.constant 8 : i32
    %div3A = arith.divsi %add3A, %jit3A : i32
    %sign3A = arith.constant 0 : i32
    %sign3A_3 = arith.cmpi sgt, %add3A, %sign3A : i32
    %sign3A_4 = arith.extui %sign3A_3 : i1 to i32
    %sign3A_5 = arith.constant 0 : i32
    %sign3A_6 = arith.cmpi slt, %add3A, %sign3A_5 : i32
    %sign3A_7 = arith.extui %sign3A_6 : i1 to i32
    %sign3A_8 = arith.subi %sign3A_4, %sign3A_7 : i32
    %sign3A_9 = arith.constant 0 : i32
    %sign3A_10 = arith.cmpi sgt, %jit3A, %sign3A_9 : i32
    %sign3A_11 = arith.extui %sign3A_10 : i1 to i32
    %sign3A_12 = arith.constant 0 : i32
    %sign3A_13 = arith.cmpi slt, %jit3A, %sign3A_12 : i32
    %sign3A_14 = arith.extui %sign3A_13 : i1 to i32
    %sign3A_15 = arith.subi %sign3A_11, %sign3A_14 : i32
    %ne3A = arith.cmpi ne, %sign3A_8, %sign3A_15 : i32
    %rem3A = arith.remsi %add3A, %jit3A : i32
    %ne3A_16 = arith.constant 0 : i32
    %ne3A_17 = arith.cmpi ne, %rem3A, %ne3A_16 : i32
    %and3A = arith.andi %ne3A, %ne3A_17 : i1
    %sub3A = arith.constant 1 : i32
    %sub3A_18 = arith.subi %div3A, %sub3A : i32
    %select_n3A = arith.select %and3A, %sub3A_18, %div3A : i32
    %jit3A_19 = arith.constant 8 : i32
    %eq3A = arith.constant 0 : i32
    %eq3A_20 = arith.cmpi eq, %jit3A_19, %eq3A : i32
    %jit3A_21 = arith.constant 1 : i32
    %select_n3A_22 = arith.select %eq3A_20, %jit3A_21, %jit3A_19 : i32
    %rem3A_23 = arith.remsi %add3A, %select_n3A_22 : i32
    %ne3A_24 = arith.constant 0 : i32
    %ne3A_25 = arith.cmpi ne, %rem3A_23, %ne3A_24 : i32
    %lt3A = arith.constant 0 : i32
    %lt3A_26 = arith.cmpi slt, %rem3A_23, %lt3A : i32
    %lt3A_27 = arith.constant 0 : i32
    %lt3A_28 = arith.cmpi slt, %select_n3A_22, %lt3A_27 : i32
    %ne3A_29 = arith.xori %lt3A_26, %lt3A_28 : i1
    %and3A_30 = arith.andi %ne3A_29, %ne3A_25 : i1
    %add3A_31 = arith.addi %rem3A_23, %select_n3A_22 : i32
    %select_n3A_32 = arith.select %and3A_30, %add3A_31, %rem3A_23 : i32
    %mul3A_33 = arith.constant 512 : i32
    %mul3A_34 = arith.muli %select_n3A_32, %mul3A_33 : i32
    "tpu.region"() ({
      %run_scoped3A = tpu.sem_alloc : memref<!tpu.dma_semaphore, #tpu.memory_space<semaphore_mem>>
      %dma_start3A_673 = tpu.memref_slice %arg2[%select_n3A, %mul3A_34] : memref<4x4096xi32, #tpu.memory_space<hbm>> -> memref<1x512xi32, #tpu.memory_space<hbm>>
      %dma_start3A_674 = tpu.memref_squeeze %dma_start3A_673 : memref<1x512xi32, #tpu.memory_space<hbm>> -> memref<512xi32, #tpu.memory_space<hbm>>
      %dma_start3A_675 = tpu.memref_slice %arg2[%select_n3A, %mul3A_34] : memref<4x4096xi32, #tpu.memory_space<hbm>> -> memref<1x512xi32, #tpu.memory_space<hbm>>
      %dma_start3A_676 = tpu.memref_squeeze %dma_start3A_675 : memref<1x512xi32, #tpu.memory_space<hbm>> -> memref<512xi32, #tpu.memory_space<hbm>>
      tpu.enqueue_dma source(%dma_start3A_676 : memref<512xi32, #tpu.memory_space<hbm>>) target(%arg5 : memref<512xi32, #tpu.memory_space<vmem>>) target_semaphore(%run_scoped3A : memref<!tpu.dma_semaphore, #tpu.memory_space<semaphore_mem>>)
      %dma_wait3A_677 = tpu.memref_slice %arg2[%select_n3A, %mul3A_34] : memref<4x4096xi32, #tpu.memory_space<hbm>> -> memref<1x512xi32, #tpu.memory_space<hbm>>
      %dma_wait3A_678 = tpu.memref_squeeze %dma_wait3A_677 : memref<1x512xi32, #tpu.memory_space<hbm>> -> memref<512xi32, #tpu.memory_space<hbm>>
      %dma_wait3A_679 = tpu.memref_slice %arg2[%select_n3A, %mul3A_34] : memref<4x4096xi32, #tpu.memory_space<hbm>> -> memref<1x512xi32, #tpu.memory_space<hbm>>
      %dma_wait3A_680 = tpu.memref_squeeze %dma_wait3A_679 : memref<1x512xi32, #tpu.memory_space<hbm>> -> memref<512xi32, #tpu.memory_space<hbm>>
      tpu.wait_dma2 semaphore(%run_scoped3A : memref<!tpu.dma_semaphore, #tpu.memory_space<semaphore_mem>>) src(%dma_wait3A_680 : memref<512xi32, #tpu.memory_space<hbm>>) dst(%arg5 : memref<512xi32, #tpu.memory_space<vmem>>)
      tpu.yield
    }) : () -> ()
    %dma_start3A = arith.constant 0 : i32
    %dma_start3A_35 = tpu.memref_slice %arg5[%dma_start3A] : memref<512xi32, #tpu.memory_space<vmem>> -> memref<16xi32, #tpu.memory_space<vmem>>
    %dma_start3A_36 = arith.constant 0 : i32
    %dma_start3A_37 = arith.constant 0 : i32
    %dma_start3A_38 = tpu.memref_slice %arg3[%dma_start3A_36, %dma_start3A_37] : memref<100000x1024xf32, #tpu.memory_space<hbm>> -> memref<100000x1024xf32, #tpu.memory_space<hbm>>
    tpu.enqueue_indirect_dma source(%dma_start3A_38 : memref<100000x1024xf32, #tpu.memory_space<hbm>>) target(%arg6 : memref<16x1024xf32, #tpu.memory_space<vmem>>) offsets(%dma_start3A_35 : memref<16xi32, #tpu.memory_space<vmem>>) semaphore(%arg12 : memref<!tpu.dma_semaphore, #tpu.memory_space<semaphore_mem>>)
    %dma_start3A_39 = arith.constant 16 : i32
    %dma_start3A_40 = tpu.memref_slice %arg5[%dma_start3A_39] : memref<512xi32, #tpu.memory_space<vmem>> -> memref<16xi32, #tpu.memory_space<vmem>>
    %dma_start3A_41 = arith.constant 0 : i32
    %dma_start3A_42 = arith.constant 0 : i32
    %dma_start3A_43 = tpu.memref_slice %arg3[%dma_start3A_41, %dma_start3A_42] : memref<100000x1024xf32, #tpu.memory_space<hbm>> -> memref<100000x1024xf32, #tpu.memory_space<hbm>>
    tpu.enqueue_indirect_dma source(%dma_start3A_43 : memref<100000x1024xf32, #tpu.memory_space<hbm>>) target(%arg7 : memref<16x1024xf32, #tpu.memory_space<vmem>>) offsets(%dma_start3A_40 : memref<16xi32, #tpu.memory_space<vmem>>) semaphore(%arg13 : memref<!tpu.dma_semaphore, #tpu.memory_space<semaphore_mem>>)
    %dma_start3A_44 = arith.constant 32 : i32
    %dma_start3A_45 = tpu.memref_slice %arg5[%dma_start3A_44] : memref<512xi32, #tpu.memory_space<vmem>> -> memref<16xi32, #tpu.memory_space<vmem>>
    %dma_start3A_46 = arith.constant 0 : i32
    %dma_start3A_47 = arith.constant 0 : i32
    %dma_start3A_48 = tpu.memref_slice %arg3[%dma_start3A_46, %dma_start3A_47] : memref<100000x1024xf32, #tpu.memory_space<hbm>> -> memref<100000x1024xf32, #tpu.memory_space<hbm>>
    tpu.enqueue_indirect_dma source(%dma_start3A_48 : memref<100000x1024xf32, #tpu.memory_space<hbm>>) target(%arg8 : memref<16x1024xf32, #tpu.memory_space<vmem>>) offsets(%dma_start3A_45 : memref<16xi32, #tpu.memory_space<vmem>>) semaphore(%arg14 : memref<!tpu.dma_semaphore, #tpu.memory_space<semaphore_mem>>)
    %dma_start3A_49 = arith.constant 48 : i32
    %dma_start3A_50 = tpu.memref_slice %arg5[%dma_start3A_49] : memref<512xi32, #tpu.memory_space<vmem>> -> memref<16xi32, #tpu.memory_space<vmem>>
    %dma_start3A_51 = arith.constant 0 : i32
    %dma_start3A_52 = arith.constant 0 : i32
    %dma_start3A_53 = tpu.memref_slice %arg3[%dma_start3A_51, %dma_start3A_52] : memref<100000x1024xf32, #tpu.memory_space<hbm>> -> memref<100000x1024xf32, #tpu.memory_space<hbm>>
    tpu.enqueue_indirect_dma source(%dma_start3A_53 : memref<100000x1024xf32, #tpu.memory_space<hbm>>) target(%arg9 : memref<16x1024xf32, #tpu.memory_space<vmem>>) offsets(%dma_start3A_50 : memref<16xi32, #tpu.memory_space<vmem>>) semaphore(%arg15 : memref<!tpu.dma_semaphore, #tpu.memory_space<semaphore_mem>>)
    %dma_start3A_54 = arith.constant 64 : i32
    %dma_start3A_55 = tpu.memref_slice %arg5[%dma_start3A_54] : memref<512xi32, #tpu.memory_space<vmem>> -> memref<16xi32, #tpu.memory_space<vmem>>
    %dma_start3A_56 = arith.constant 0 : i32
    %dma_start3A_57 = arith.constant 0 : i32
    %dma_start3A_58 = tpu.memref_slice %arg3[%dma_start3A_56, %dma_start3A_57] : memref<100000x1024xf32, #tpu.memory_space<hbm>> -> memref<100000x1024xf32, #tpu.memory_space<hbm>>
    tpu.enqueue_indirect_dma source(%dma_start3A_58 : memref<100000x1024xf32, #tpu.memory_space<hbm>>) target(%arg10 : memref<16x1024xf32, #tpu.memory_space<vmem>>) offsets(%dma_start3A_55 : memref<16xi32, #tpu.memory_space<vmem>>) semaphore(%arg16 : memref<!tpu.dma_semaphore, #tpu.memory_space<semaphore_mem>>)
    %dma_start3A_59 = arith.constant 80 : i32
    %dma_start3A_60 = tpu.memref_slice %arg5[%dma_start3A_59] : memref<512xi32, #tpu.memory_space<vmem>> -> memref<16xi32, #tpu.memory_space<vmem>>
    %dma_start3A_61 = arith.constant 0 : i32
    %dma_start3A_62 = arith.constant 0 : i32
    %dma_start3A_63 = tpu.memref_slice %arg3[%dma_start3A_61, %dma_start3A_62] : memref<100000x1024xf32, #tpu.memory_space<hbm>> -> memref<100000x1024xf32, #tpu.memory_space<hbm>>
    tpu.enqueue_indirect_dma source(%dma_start3A_63 : memref<100000x1024xf32, #tpu.memory_space<hbm>>) target(%arg11 : memref<16x1024xf32, #tpu.memory_space<vmem>>) offsets(%dma_start3A_60 : memref<16xi32, #tpu.memory_space<vmem>>) semaphore(%arg17 : memref<!tpu.dma_semaphore, #tpu.memory_space<semaphore_mem>>)
    %dma_wait3A = arith.constant 0 : i32
    %dma_wait3A_64 = tpu.memref_slice %arg5[%dma_wait3A] : memref<512xi32, #tpu.memory_space<vmem>> -> memref<16xi32, #tpu.memory_space<vmem>>
    %dma_wait3A_65 = arith.constant 0 : i32
    %dma_wait3A_66 = arith.constant 0 : i32
    %dma_wait3A_67 = tpu.memref_slice %arg3[%dma_wait3A_65, %dma_wait3A_66] : memref<100000x1024xf32, #tpu.memory_space<hbm>> -> memref<100000x1024xf32, #tpu.memory_space<hbm>>
    tpu.wait_indirect_dma semaphore(%arg12 : memref<!tpu.dma_semaphore, #tpu.memory_space<semaphore_mem>>) src(%dma_wait3A_67 : memref<100000x1024xf32, #tpu.memory_space<hbm>>) dst(%arg6 : memref<16x1024xf32, #tpu.memory_space<vmem>>)
    %add3A_68 = arith.constant 0 : i32
    %add3A_69 = arith.addi %mul3A_2, %add3A_68 : i32
    %dma_start3A_70 = arith.constant 0 : i32
    %dma_start3A_71 = tpu.memref_slice %arg4[%add3A_69, %dma_start3A_70] : memref<16384x1024xf32, #tpu.memory_space<hbm>> -> memref<16x1024xf32, #tpu.memory_space<hbm>>
    %dma_start3A_72 = arith.constant 0 : i32
    %dma_start3A_73 = tpu.memref_slice %arg4[%add3A_69, %dma_start3A_72] : memref<16384x1024xf32, #tpu.memory_space<hbm>> -> memref<16x1024xf32, #tpu.memory_space<hbm>>
    tpu.enqueue_dma source(%arg6 : memref<16x1024xf32, #tpu.memory_space<vmem>>) target(%dma_start3A_73 : memref<16x1024xf32, #tpu.memory_space<hbm>>) target_semaphore(%arg18 : memref<!tpu.dma_semaphore, #tpu.memory_space<semaphore_mem>>)
    %dma_wait3A_74 = arith.constant 0 : i32
    %dma_wait3A_75 = tpu.memref_slice %arg4[%add3A_69, %dma_wait3A_74] : memref<16384x1024xf32, #tpu.memory_space<hbm>> -> memref<16x1024xf32, #tpu.memory_space<hbm>>
    %dma_wait3A_76 = arith.constant 0 : i32
    %dma_wait3A_77 = tpu.memref_slice %arg4[%add3A_69, %dma_wait3A_76] : memref<16384x1024xf32, #tpu.memory_space<hbm>> -> memref<16x1024xf32, #tpu.memory_space<hbm>>
    tpu.wait_dma2 semaphore(%arg18 : memref<!tpu.dma_semaphore, #tpu.memory_space<semaphore_mem>>) src(%arg6 : memref<16x1024xf32, #tpu.memory_space<vmem>>) dst(%dma_wait3A_77 : memref<16x1024xf32, #tpu.memory_space<hbm>>)
    %dma_start3A_78 = arith.constant 96 : i32
    %dma_start3A_79 = tpu.memref_slice %arg5[%dma_start3A_78] : memref<512xi32, #tpu.memory_space<vmem>> -> memref<16xi32, #tpu.memory_space<vmem>>
    %dma_start3A_80 = arith.constant 0 : i32
    %dma_start3A_81 = arith.constant 0 : i32
    %dma_start3A_82 = tpu.memref_slice %arg3[%dma_start3A_80, %dma_start3A_81] : memref<100000x1024xf32, #tpu.memory_space<hbm>> -> memref<100000x1024xf32, #tpu.memory_space<hbm>>
    tpu.enqueue_indirect_dma source(%dma_start3A_82 : memref<100000x1024xf32, #tpu.memory_space<hbm>>) target(%arg6 : memref<16x1024xf32, #tpu.memory_space<vmem>>) offsets(%dma_start3A_79 : memref<16xi32, #tpu.memory_space<vmem>>) semaphore(%arg12 : memref<!tpu.dma_semaphore, #tpu.memory_space<semaphore_mem>>)
    %dma_wait3A_83 = arith.constant 16 : i32
    %dma_wait3A_84 = tpu.memref_slice %arg5[%dma_wait3A_83] : memref<512xi32, #tpu.memory_space<vmem>> -> memref<16xi32, #tpu.memory_space<vmem>>
    %dma_wait3A_85 = arith.constant 0 : i32
    %dma_wait3A_86 = arith.constant 0 : i32
    %dma_wait3A_87 = tpu.memref_slice %arg3[%dma_wait3A_85, %dma_wait3A_86] : memref<100000x1024xf32, #tpu.memory_space<hbm>> -> memref<100000x1024xf32, #tpu.memory_space<hbm>>
    tpu.wait_indirect_dma semaphore(%arg13 : memref<!tpu.dma_semaphore, #tpu.memory_space<semaphore_mem>>) src(%dma_wait3A_87 : memref<100000x1024xf32, #tpu.memory_space<hbm>>) dst(%arg7 : memref<16x1024xf32, #tpu.memory_space<vmem>>)
    %add3A_88 = arith.constant 16 : i32
    %add3A_89 = arith.addi %mul3A_2, %add3A_88 : i32
    %dma_start3A_90 = arith.constant 0 : i32
    %dma_start3A_91 = tpu.memref_slice %arg4[%add3A_89, %dma_start3A_90] : memref<16384x1024xf32, #tpu.memory_space<hbm>> -> memref<16x1024xf32, #tpu.memory_space<hbm>>
    %dma_start3A_92 = arith.constant 0 : i32
    %dma_start3A_93 = tpu.memref_slice %arg4[%add3A_89, %dma_start3A_92] : memref<16384x1024xf32, #tpu.memory_space<hbm>> -> memref<16x1024xf32, #tpu.memory_space<hbm>>
    tpu.enqueue_dma source(%arg7 : memref<16x1024xf32, #tpu.memory_space<vmem>>) target(%dma_start3A_93 : memref<16x1024xf32, #tpu.memory_space<hbm>>) target_semaphore(%arg19 : memref<!tpu.dma_semaphore, #tpu.memory_space<semaphore_mem>>)
    %dma_wait3A_94 = arith.constant 0 : i32
    %dma_wait3A_95 = tpu.memref_slice %arg4[%add3A_89, %dma_wait3A_94] : memref<16384x1024xf32, #tpu.memory_space<hbm>> -> memref<16x1024xf32, #tpu.memory_space<hbm>>
    %dma_wait3A_96 = arith.constant 0 : i32
    %dma_wait3A_97 = tpu.memref_slice %arg4[%add3A_89, %dma_wait3A_96] : memref<16384x1024xf32, #tpu.memory_space<hbm>> -> memref<16x1024xf32, #tpu.memory_space<hbm>>
    tpu.wait_dma2 semaphore(%arg19 : memref<!tpu.dma_semaphore, #tpu.memory_space<semaphore_mem>>) src(%arg7 : memref<16x1024xf32, #tpu.memory_space<vmem>>) dst(%dma_wait3A_97 : memref<16x1024xf32, #tpu.memory_space<hbm>>)
    %dma_start3A_98 = arith.constant 112 : i32
    %dma_start3A_99 = tpu.memref_slice %arg5[%dma_start3A_98] : memref<512xi32, #tpu.memory_space<vmem>> -> memref<16xi32, #tpu.memory_space<vmem>>
    %dma_start3A_100 = arith.constant 0 : i32
    %dma_start3A_101 = arith.constant 0 : i32
    %dma_start3A_102 = tpu.memref_slice %arg3[%dma_start3A_100, %dma_start3A_101] : memref<100000x1024xf32, #tpu.memory_space<hbm>> -> memref<100000x1024xf32, #tpu.memory_space<hbm>>
    tpu.enqueue_indirect_dma source(%dma_start3A_102 : memref<100000x1024xf32, #tpu.memory_space<hbm>>) target(%arg7 : memref<16x1024xf32, #tpu.memory_space<vmem>>) offsets(%dma_start3A_99 : memref<16xi32, #tpu.memory_space<vmem>>) semaphore(%arg13 : memref<!tpu.dma_semaphore, #tpu.memory_space<semaphore_mem>>)
    %dma_wait3A_103 = arith.constant 32 : i32
    %dma_wait3A_104 = tpu.memref_slice %arg5[%dma_wait3A_103] : memref<512xi32, #tpu.memory_space<vmem>> -> memref<16xi32, #tpu.memory_space<vmem>>
    %dma_wait3A_105 = arith.constant 0 : i32
    %dma_wait3A_106 = arith.constant 0 : i32
    %dma_wait3A_107 = tpu.memref_slice %arg3[%dma_wait3A_105, %dma_wait3A_106] : memref<100000x1024xf32, #tpu.memory_space<hbm>> -> memref<100000x1024xf32, #tpu.memory_space<hbm>>
    tpu.wait_indirect_dma semaphore(%arg14 : memref<!tpu.dma_semaphore, #tpu.memory_space<semaphore_mem>>) src(%dma_wait3A_107 : memref<100000x1024xf32, #tpu.memory_space<hbm>>) dst(%arg8 : memref<16x1024xf32, #tpu.memory_space<vmem>>)
    %add3A_108 = arith.constant 32 : i32
    %add3A_109 = arith.addi %mul3A_2, %add3A_108 : i32
    %dma_start3A_110 = arith.constant 0 : i32
    %dma_start3A_111 = tpu.memref_slice %arg4[%add3A_109, %dma_start3A_110] : memref<16384x1024xf32, #tpu.memory_space<hbm>> -> memref<16x1024xf32, #tpu.memory_space<hbm>>
    %dma_start3A_112 = arith.constant 0 : i32
    %dma_start3A_113 = tpu.memref_slice %arg4[%add3A_109, %dma_start3A_112] : memref<16384x1024xf32, #tpu.memory_space<hbm>> -> memref<16x1024xf32, #tpu.memory_space<hbm>>
    tpu.enqueue_dma source(%arg8 : memref<16x1024xf32, #tpu.memory_space<vmem>>) target(%dma_start3A_113 : memref<16x1024xf32, #tpu.memory_space<hbm>>) target_semaphore(%arg20 : memref<!tpu.dma_semaphore, #tpu.memory_space<semaphore_mem>>)
    %dma_wait3A_114 = arith.constant 0 : i32
    %dma_wait3A_115 = tpu.memref_slice %arg4[%add3A_109, %dma_wait3A_114] : memref<16384x1024xf32, #tpu.memory_space<hbm>> -> memref<16x1024xf32, #tpu.memory_space<hbm>>
    %dma_wait3A_116 = arith.constant 0 : i32
    %dma_wait3A_117 = tpu.memref_slice %arg4[%add3A_109, %dma_wait3A_116] : memref<16384x1024xf32, #tpu.memory_space<hbm>> -> memref<16x1024xf32, #tpu.memory_space<hbm>>
    tpu.wait_dma2 semaphore(%arg20 : memref<!tpu.dma_semaphore, #tpu.memory_space<semaphore_mem>>) src(%arg8 : memref<16x1024xf32, #tpu.memory_space<vmem>>) dst(%dma_wait3A_117 : memref<16x1024xf32, #tpu.memory_space<hbm>>)
    %dma_start3A_118 = arith.constant 128 : i32
    %dma_start3A_119 = tpu.memref_slice %arg5[%dma_start3A_118] : memref<512xi32, #tpu.memory_space<vmem>> -> memref<16xi32, #tpu.memory_space<vmem>>
    %dma_start3A_120 = arith.constant 0 : i32
    %dma_start3A_121 = arith.constant 0 : i32
    %dma_start3A_122 = tpu.memref_slice %arg3[%dma_start3A_120, %dma_start3A_121] : memref<100000x1024xf32, #tpu.memory_space<hbm>> -> memref<100000x1024xf32, #tpu.memory_space<hbm>>
    tpu.enqueue_indirect_dma source(%dma_start3A_122 : memref<100000x1024xf32, #tpu.memory_space<hbm>>) target(%arg8 : memref<16x1024xf32, #tpu.memory_space<vmem>>) offsets(%dma_start3A_119 : memref<16xi32, #tpu.memory_space<vmem>>) semaphore(%arg14 : memref<!tpu.dma_semaphore, #tpu.memory_space<semaphore_mem>>)
    %dma_wait3A_123 = arith.constant 48 : i32
    %dma_wait3A_124 = tpu.memref_slice %arg5[%dma_wait3A_123] : memref<512xi32, #tpu.memory_space<vmem>> -> memref<16xi32, #tpu.memory_space<vmem>>
    %dma_wait3A_125 = arith.constant 0 : i32
    %dma_wait3A_126 = arith.constant 0 : i32
    %dma_wait3A_127 = tpu.memref_slice %arg3[%dma_wait3A_125, %dma_wait3A_126] : memref<100000x1024xf32, #tpu.memory_space<hbm>> -> memref<100000x1024xf32, #tpu.memory_space<hbm>>
    tpu.wait_indirect_dma semaphore(%arg15 : memref<!tpu.dma_semaphore, #tpu.memory_space<semaphore_mem>>) src(%dma_wait3A_127 : memref<100000x1024xf32, #tpu.memory_space<hbm>>) dst(%arg9 : memref<16x1024xf32, #tpu.memory_space<vmem>>)
    %add3A_128 = arith.constant 48 : i32
    %add3A_129 = arith.addi %mul3A_2, %add3A_128 : i32
    %dma_start3A_130 = arith.constant 0 : i32
    %dma_start3A_131 = tpu.memref_slice %arg4[%add3A_129, %dma_start3A_130] : memref<16384x1024xf32, #tpu.memory_space<hbm>> -> memref<16x1024xf32, #tpu.memory_space<hbm>>
    %dma_start3A_132 = arith.constant 0 : i32
    %dma_start3A_133 = tpu.memref_slice %arg4[%add3A_129, %dma_start3A_132] : memref<16384x1024xf32, #tpu.memory_space<hbm>> -> memref<16x1024xf32, #tpu.memory_space<hbm>>
    tpu.enqueue_dma source(%arg9 : memref<16x1024xf32, #tpu.memory_space<vmem>>) target(%dma_start3A_133 : memref<16x1024xf32, #tpu.memory_space<hbm>>) target_semaphore(%arg21 : memref<!tpu.dma_semaphore, #tpu.memory_space<semaphore_mem>>)
    %dma_wait3A_134 = arith.constant 0 : i32
    %dma_wait3A_135 = tpu.memref_slice %arg4[%add3A_129, %dma_wait3A_134] : memref<16384x1024xf32, #tpu.memory_space<hbm>> -> memref<16x1024xf32, #tpu.memory_space<hbm>>
    %dma_wait3A_136 = arith.constant 0 : i32
    %dma_wait3A_137 = tpu.memref_slice %arg4[%add3A_129, %dma_wait3A_136] : memref<16384x1024xf32, #tpu.memory_space<hbm>> -> memref<16x1024xf32, #tpu.memory_space<hbm>>
    tpu.wait_dma2 semaphore(%arg21 : memref<!tpu.dma_semaphore, #tpu.memory_space<semaphore_mem>>) src(%arg9 : memref<16x1024xf32, #tpu.memory_space<vmem>>) dst(%dma_wait3A_137 : memref<16x1024xf32, #tpu.memory_space<hbm>>)
    %dma_start3A_138 = arith.constant 144 : i32
    %dma_start3A_139 = tpu.memref_slice %arg5[%dma_start3A_138] : memref<512xi32, #tpu.memory_space<vmem>> -> memref<16xi32, #tpu.memory_space<vmem>>
    %dma_start3A_140 = arith.constant 0 : i32
    %dma_start3A_141 = arith.constant 0 : i32
    %dma_start3A_142 = tpu.memref_slice %arg3[%dma_start3A_140, %dma_start3A_141] : memref<100000x1024xf32, #tpu.memory_space<hbm>> -> memref<100000x1024xf32, #tpu.memory_space<hbm>>
    tpu.enqueue_indirect_dma source(%dma_start3A_142 : memref<100000x1024xf32, #tpu.memory_space<hbm>>) target(%arg9 : memref<16x1024xf32, #tpu.memory_space<vmem>>) offsets(%dma_start3A_139 : memref<16xi32, #tpu.memory_space<vmem>>) semaphore(%arg15 : memref<!tpu.dma_semaphore, #tpu.memory_space<semaphore_mem>>)
    %dma_wait3A_143 = arith.constant 64 : i32
    %dma_wait3A_144 = tpu.memref_slice %arg5[%dma_wait3A_143] : memref<512xi32, #tpu.memory_space<vmem>> -> memref<16xi32, #tpu.memory_space<vmem>>
    %dma_wait3A_145 = arith.constant 0 : i32
    %dma_wait3A_146 = arith.constant 0 : i32
    %dma_wait3A_147 = tpu.memref_slice %arg3[%dma_wait3A_145, %dma_wait3A_146] : memref<100000x1024xf32, #tpu.memory_space<hbm>> -> memref<100000x1024xf32, #tpu.memory_space<hbm>>
    tpu.wait_indirect_dma semaphore(%arg16 : memref<!tpu.dma_semaphore, #tpu.memory_space<semaphore_mem>>) src(%dma_wait3A_147 : memref<100000x1024xf32, #tpu.memory_space<hbm>>) dst(%arg10 : memref<16x1024xf32, #tpu.memory_space<vmem>>)
    %add3A_148 = arith.constant 64 : i32
    %add3A_149 = arith.addi %mul3A_2, %add3A_148 : i32
    %dma_start3A_150 = arith.constant 0 : i32
    %dma_start3A_151 = tpu.memref_slice %arg4[%add3A_149, %dma_start3A_150] : memref<16384x1024xf32, #tpu.memory_space<hbm>> -> memref<16x1024xf32, #tpu.memory_space<hbm>>
    %dma_start3A_152 = arith.constant 0 : i32
    %dma_start3A_153 = tpu.memref_slice %arg4[%add3A_149, %dma_start3A_152] : memref<16384x1024xf32, #tpu.memory_space<hbm>> -> memref<16x1024xf32, #tpu.memory_space<hbm>>
    tpu.enqueue_dma source(%arg10 : memref<16x1024xf32, #tpu.memory_space<vmem>>) target(%dma_start3A_153 : memref<16x1024xf32, #tpu.memory_space<hbm>>) target_semaphore(%arg22 : memref<!tpu.dma_semaphore, #tpu.memory_space<semaphore_mem>>)
    %dma_wait3A_154 = arith.constant 0 : i32
    %dma_wait3A_155 = tpu.memref_slice %arg4[%add3A_149, %dma_wait3A_154] : memref<16384x1024xf32, #tpu.memory_space<hbm>> -> memref<16x1024xf32, #tpu.memory_space<hbm>>
    %dma_wait3A_156 = arith.constant 0 : i32
    %dma_wait3A_157 = tpu.memref_slice %arg4[%add3A_149, %dma_wait3A_156] : memref<16384x1024xf32, #tpu.memory_space<hbm>> -> memref<16x1024xf32, #tpu.memory_space<hbm>>
    tpu.wait_dma2 semaphore(%arg22 : memref<!tpu.dma_semaphore, #tpu.memory_space<semaphore_mem>>) src(%arg10 : memref<16x1024xf32, #tpu.memory_space<vmem>>) dst(%dma_wait3A_157 : memref<16x1024xf32, #tpu.memory_space<hbm>>)
    %dma_start3A_158 = arith.constant 160 : i32
    %dma_start3A_159 = tpu.memref_slice %arg5[%dma_start3A_158] : memref<512xi32, #tpu.memory_space<vmem>> -> memref<16xi32, #tpu.memory_space<vmem>>
    %dma_start3A_160 = arith.constant 0 : i32
    %dma_start3A_161 = arith.constant 0 : i32
    %dma_start3A_162 = tpu.memref_slice %arg3[%dma_start3A_160, %dma_start3A_161] : memref<100000x1024xf32, #tpu.memory_space<hbm>> -> memref<100000x1024xf32, #tpu.memory_space<hbm>>
    tpu.enqueue_indirect_dma source(%dma_start3A_162 : memref<100000x1024xf32, #tpu.memory_space<hbm>>) target(%arg10 : memref<16x1024xf32, #tpu.memory_space<vmem>>) offsets(%dma_start3A_159 : memref<16xi32, #tpu.memory_space<vmem>>) semaphore(%arg16 : memref<!tpu.dma_semaphore, #tpu.memory_space<semaphore_mem>>)
    %dma_wait3A_163 = arith.constant 80 : i32
    %dma_wait3A_164 = tpu.memref_slice %arg5[%dma_wait3A_163] : memref<512xi32, #tpu.memory_space<vmem>> -> memref<16xi32, #tpu.memory_space<vmem>>
    %dma_wait3A_165 = arith.constant 0 : i32
    %dma_wait3A_166 = arith.constant 0 : i32
    %dma_wait3A_167 = tpu.memref_slice %arg3[%dma_wait3A_165, %dma_wait3A_166] : memref<100000x1024xf32, #tpu.memory_space<hbm>> -> memref<100000x1024xf32, #tpu.memory_space<hbm>>
    tpu.wait_indirect_dma semaphore(%arg17 : memref<!tpu.dma_semaphore, #tpu.memory_space<semaphore_mem>>) src(%dma_wait3A_167 : memref<100000x1024xf32, #tpu.memory_space<hbm>>) dst(%arg11 : memref<16x1024xf32, #tpu.memory_space<vmem>>)
    %add3A_168 = arith.constant 80 : i32
    %add3A_169 = arith.addi %mul3A_2, %add3A_168 : i32
    %dma_start3A_170 = arith.constant 0 : i32
    %dma_start3A_171 = tpu.memref_slice %arg4[%add3A_169, %dma_start3A_170] : memref<16384x1024xf32, #tpu.memory_space<hbm>> -> memref<16x1024xf32, #tpu.memory_space<hbm>>
    %dma_start3A_172 = arith.constant 0 : i32
    %dma_start3A_173 = tpu.memref_slice %arg4[%add3A_169, %dma_start3A_172] : memref<16384x1024xf32, #tpu.memory_space<hbm>> -> memref<16x1024xf32, #tpu.memory_space<hbm>>
    tpu.enqueue_dma source(%arg11 : memref<16x1024xf32, #tpu.memory_space<vmem>>) target(%dma_start3A_173 : memref<16x1024xf32, #tpu.memory_space<hbm>>) target_semaphore(%arg23 : memref<!tpu.dma_semaphore, #tpu.memory_space<semaphore_mem>>)
    %dma_wait3A_174 = arith.constant 0 : i32
    %dma_wait3A_175 = tpu.memref_slice %arg4[%add3A_169, %dma_wait3A_174] : memref<16384x1024xf32, #tpu.memory_space<hbm>> -> memref<16x1024xf32, #tpu.memory_space<hbm>>
    %dma_wait3A_176 = arith.constant 0 : i32
    %dma_wait3A_177 = tpu.memref_slice %arg4[%add3A_169, %dma_wait3A_176] : memref<16384x1024xf32, #tpu.memory_space<hbm>> -> memref<16x1024xf32, #tpu.memory_space<hbm>>
    tpu.wait_dma2 semaphore(%arg23 : memref<!tpu.dma_semaphore, #tpu.memory_space<semaphore_mem>>) src(%arg11 : memref<16x1024xf32, #tpu.memory_space<vmem>>) dst(%dma_wait3A_177 : memref<16x1024xf32, #tpu.memory_space<hbm>>)
    %dma_start3A_178 = arith.constant 176 : i32
    %dma_start3A_179 = tpu.memref_slice %arg5[%dma_start3A_178] : memref<512xi32, #tpu.memory_space<vmem>> -> memref<16xi32, #tpu.memory_space<vmem>>
    %dma_start3A_180 = arith.constant 0 : i32
    %dma_start3A_181 = arith.constant 0 : i32
    %dma_start3A_182 = tpu.memref_slice %arg3[%dma_start3A_180, %dma_start3A_181] : memref<100000x1024xf32, #tpu.memory_space<hbm>> -> memref<100000x1024xf32, #tpu.memory_space<hbm>>
    tpu.enqueue_indirect_dma source(%dma_start3A_182 : memref<100000x1024xf32, #tpu.memory_space<hbm>>) target(%arg11 : memref<16x1024xf32, #tpu.memory_space<vmem>>) offsets(%dma_start3A_179 : memref<16xi32, #tpu.memory_space<vmem>>) semaphore(%arg17 : memref<!tpu.dma_semaphore, #tpu.memory_space<semaphore_mem>>)
    %dma_wait3A_183 = arith.constant 96 : i32
    %dma_wait3A_184 = tpu.memref_slice %arg5[%dma_wait3A_183] : memref<512xi32, #tpu.memory_space<vmem>> -> memref<16xi32, #tpu.memory_space<vmem>>
    %dma_wait3A_185 = arith.constant 0 : i32
    %dma_wait3A_186 = arith.constant 0 : i32
    %dma_wait3A_187 = tpu.memref_slice %arg3[%dma_wait3A_185, %dma_wait3A_186] : memref<100000x1024xf32, #tpu.memory_space<hbm>> -> memref<100000x1024xf32, #tpu.memory_space<hbm>>
    tpu.wait_indirect_dma semaphore(%arg12 : memref<!tpu.dma_semaphore, #tpu.memory_space<semaphore_mem>>) src(%dma_wait3A_187 : memref<100000x1024xf32, #tpu.memory_space<hbm>>) dst(%arg6 : memref<16x1024xf32, #tpu.memory_space<vmem>>)
    %add3A_188 = arith.constant 96 : i32
    %add3A_189 = arith.addi %mul3A_2, %add3A_188 : i32
    %dma_start3A_190 = arith.constant 0 : i32
    %dma_start3A_191 = tpu.memref_slice %arg4[%add3A_189, %dma_start3A_190] : memref<16384x1024xf32, #tpu.memory_space<hbm>> -> memref<16x1024xf32, #tpu.memory_space<hbm>>
    %dma_start3A_192 = arith.constant 0 : i32
    %dma_start3A_193 = tpu.memref_slice %arg4[%add3A_189, %dma_start3A_192] : memref<16384x1024xf32, #tpu.memory_space<hbm>> -> memref<16x1024xf32, #tpu.memory_space<hbm>>
    tpu.enqueue_dma source(%arg6 : memref<16x1024xf32, #tpu.memory_space<vmem>>) target(%dma_start3A_193 : memref<16x1024xf32, #tpu.memory_space<hbm>>) target_semaphore(%arg18 : memref<!tpu.dma_semaphore, #tpu.memory_space<semaphore_mem>>)
    %dma_wait3A_194 = arith.constant 0 : i32
    %dma_wait3A_195 = tpu.memref_slice %arg4[%add3A_189, %dma_wait3A_194] : memref<16384x1024xf32, #tpu.memory_space<hbm>> -> memref<16x1024xf32, #tpu.memory_space<hbm>>
    %dma_wait3A_196 = arith.constant 0 : i32
    %dma_wait3A_197 = tpu.memref_slice %arg4[%add3A_189, %dma_wait3A_196] : memref<16384x1024xf32, #tpu.memory_space<hbm>> -> memref<16x1024xf32, #tpu.memory_space<hbm>>
    tpu.wait_dma2 semaphore(%arg18 : memref<!tpu.dma_semaphore, #tpu.memory_space<semaphore_mem>>) src(%arg6 : memref<16x1024xf32, #tpu.memory_space<vmem>>) dst(%dma_wait3A_197 : memref<16x1024xf32, #tpu.memory_space<hbm>>)
    %dma_start3A_198 = arith.constant 192 : i32
    %dma_start3A_199 = tpu.memref_slice %arg5[%dma_start3A_198] : memref<512xi32, #tpu.memory_space<vmem>> -> memref<16xi32, #tpu.memory_space<vmem>>
    %dma_start3A_200 = arith.constant 0 : i32
    %dma_start3A_201 = arith.constant 0 : i32
    %dma_start3A_202 = tpu.memref_slice %arg3[%dma_start3A_200, %dma_start3A_201] : memref<100000x1024xf32, #tpu.memory_space<hbm>> -> memref<100000x1024xf32, #tpu.memory_space<hbm>>
    tpu.enqueue_indirect_dma source(%dma_start3A_202 : memref<100000x1024xf32, #tpu.memory_space<hbm>>) target(%arg6 : memref<16x1024xf32, #tpu.memory_space<vmem>>) offsets(%dma_start3A_199 : memref<16xi32, #tpu.memory_space<vmem>>) semaphore(%arg12 : memref<!tpu.dma_semaphore, #tpu.memory_space<semaphore_mem>>)
    %dma_wait3A_203 = arith.constant 112 : i32
    %dma_wait3A_204 = tpu.memref_slice %arg5[%dma_wait3A_203] : memref<512xi32, #tpu.memory_space<vmem>> -> memref<16xi32, #tpu.memory_space<vmem>>
    %dma_wait3A_205 = arith.constant 0 : i32
    %dma_wait3A_206 = arith.constant 0 : i32
    %dma_wait3A_207 = tpu.memref_slice %arg3[%dma_wait3A_205, %dma_wait3A_206] : memref<100000x1024xf32, #tpu.memory_space<hbm>> -> memref<100000x1024xf32, #tpu.memory_space<hbm>>
    tpu.wait_indirect_dma semaphore(%arg13 : memref<!tpu.dma_semaphore, #tpu.memory_space<semaphore_mem>>) src(%dma_wait3A_207 : memref<100000x1024xf32, #tpu.memory_space<hbm>>) dst(%arg7 : memref<16x1024xf32, #tpu.memory_space<vmem>>)
    %add3A_208 = arith.constant 112 : i32
    %add3A_209 = arith.addi %mul3A_2, %add3A_208 : i32
    %dma_start3A_210 = arith.constant 0 : i32
    %dma_start3A_211 = tpu.memref_slice %arg4[%add3A_209, %dma_start3A_210] : memref<16384x1024xf32, #tpu.memory_space<hbm>> -> memref<16x1024xf32, #tpu.memory_space<hbm>>
    %dma_start3A_212 = arith.constant 0 : i32
    %dma_start3A_213 = tpu.memref_slice %arg4[%add3A_209, %dma_start3A_212] : memref<16384x1024xf32, #tpu.memory_space<hbm>> -> memref<16x1024xf32, #tpu.memory_space<hbm>>
    tpu.enqueue_dma source(%arg7 : memref<16x1024xf32, #tpu.memory_space<vmem>>) target(%dma_start3A_213 : memref<16x1024xf32, #tpu.memory_space<hbm>>) target_semaphore(%arg19 : memref<!tpu.dma_semaphore, #tpu.memory_space<semaphore_mem>>)
    %dma_wait3A_214 = arith.constant 0 : i32
    %dma_wait3A_215 = tpu.memref_slice %arg4[%add3A_209, %dma_wait3A_214] : memref<16384x1024xf32, #tpu.memory_space<hbm>> -> memref<16x1024xf32, #tpu.memory_space<hbm>>
    %dma_wait3A_216 = arith.constant 0 : i32
    %dma_wait3A_217 = tpu.memref_slice %arg4[%add3A_209, %dma_wait3A_216] : memref<16384x1024xf32, #tpu.memory_space<hbm>> -> memref<16x1024xf32, #tpu.memory_space<hbm>>
    tpu.wait_dma2 semaphore(%arg19 : memref<!tpu.dma_semaphore, #tpu.memory_space<semaphore_mem>>) src(%arg7 : memref<16x1024xf32, #tpu.memory_space<vmem>>) dst(%dma_wait3A_217 : memref<16x1024xf32, #tpu.memory_space<hbm>>)
    %dma_start3A_218 = arith.constant 208 : i32
    %dma_start3A_219 = tpu.memref_slice %arg5[%dma_start3A_218] : memref<512xi32, #tpu.memory_space<vmem>> -> memref<16xi32, #tpu.memory_space<vmem>>
    %dma_start3A_220 = arith.constant 0 : i32
    %dma_start3A_221 = arith.constant 0 : i32
    %dma_start3A_222 = tpu.memref_slice %arg3[%dma_start3A_220, %dma_start3A_221] : memref<100000x1024xf32, #tpu.memory_space<hbm>> -> memref<100000x1024xf32, #tpu.memory_space<hbm>>
    tpu.enqueue_indirect_dma source(%dma_start3A_222 : memref<100000x1024xf32, #tpu.memory_space<hbm>>) target(%arg7 : memref<16x1024xf32, #tpu.memory_space<vmem>>) offsets(%dma_start3A_219 : memref<16xi32, #tpu.memory_space<vmem>>) semaphore(%arg13 : memref<!tpu.dma_semaphore, #tpu.memory_space<semaphore_mem>>)
    %dma_wait3A_223 = arith.constant 128 : i32
    %dma_wait3A_224 = tpu.memref_slice %arg5[%dma_wait3A_223] : memref<512xi32, #tpu.memory_space<vmem>> -> memref<16xi32, #tpu.memory_space<vmem>>
    %dma_wait3A_225 = arith.constant 0 : i32
    %dma_wait3A_226 = arith.constant 0 : i32
    %dma_wait3A_227 = tpu.memref_slice %arg3[%dma_wait3A_225, %dma_wait3A_226] : memref<100000x1024xf32, #tpu.memory_space<hbm>> -> memref<100000x1024xf32, #tpu.memory_space<hbm>>
    tpu.wait_indirect_dma semaphore(%arg14 : memref<!tpu.dma_semaphore, #tpu.memory_space<semaphore_mem>>) src(%dma_wait3A_227 : memref<100000x1024xf32, #tpu.memory_space<hbm>>) dst(%arg8 : memref<16x1024xf32, #tpu.memory_space<vmem>>)
    %add3A_228 = arith.constant 128 : i32
    %add3A_229 = arith.addi %mul3A_2, %add3A_228 : i32
    %dma_start3A_230 = arith.constant 0 : i32
    %dma_start3A_231 = tpu.memref_slice %arg4[%add3A_229, %dma_start3A_230] : memref<16384x1024xf32, #tpu.memory_space<hbm>> -> memref<16x1024xf32, #tpu.memory_space<hbm>>
    %dma_start3A_232 = arith.constant 0 : i32
    %dma_start3A_233 = tpu.memref_slice %arg4[%add3A_229, %dma_start3A_232] : memref<16384x1024xf32, #tpu.memory_space<hbm>> -> memref<16x1024xf32, #tpu.memory_space<hbm>>
    tpu.enqueue_dma source(%arg8 : memref<16x1024xf32, #tpu.memory_space<vmem>>) target(%dma_start3A_233 : memref<16x1024xf32, #tpu.memory_space<hbm>>) target_semaphore(%arg20 : memref<!tpu.dma_semaphore, #tpu.memory_space<semaphore_mem>>)
    %dma_wait3A_234 = arith.constant 0 : i32
    %dma_wait3A_235 = tpu.memref_slice %arg4[%add3A_229, %dma_wait3A_234] : memref<16384x1024xf32, #tpu.memory_space<hbm>> -> memref<16x1024xf32, #tpu.memory_space<hbm>>
    %dma_wait3A_236 = arith.constant 0 : i32
    %dma_wait3A_237 = tpu.memref_slice %arg4[%add3A_229, %dma_wait3A_236] : memref<16384x1024xf32, #tpu.memory_space<hbm>> -> memref<16x1024xf32, #tpu.memory_space<hbm>>
    tpu.wait_dma2 semaphore(%arg20 : memref<!tpu.dma_semaphore, #tpu.memory_space<semaphore_mem>>) src(%arg8 : memref<16x1024xf32, #tpu.memory_space<vmem>>) dst(%dma_wait3A_237 : memref<16x1024xf32, #tpu.memory_space<hbm>>)
    %dma_start3A_238 = arith.constant 224 : i32
    %dma_start3A_239 = tpu.memref_slice %arg5[%dma_start3A_238] : memref<512xi32, #tpu.memory_space<vmem>> -> memref<16xi32, #tpu.memory_space<vmem>>
    %dma_start3A_240 = arith.constant 0 : i32
    %dma_start3A_241 = arith.constant 0 : i32
    %dma_start3A_242 = tpu.memref_slice %arg3[%dma_start3A_240, %dma_start3A_241] : memref<100000x1024xf32, #tpu.memory_space<hbm>> -> memref<100000x1024xf32, #tpu.memory_space<hbm>>
    tpu.enqueue_indirect_dma source(%dma_start3A_242 : memref<100000x1024xf32, #tpu.memory_space<hbm>>) target(%arg8 : memref<16x1024xf32, #tpu.memory_space<vmem>>) offsets(%dma_start3A_239 : memref<16xi32, #tpu.memory_space<vmem>>) semaphore(%arg14 : memref<!tpu.dma_semaphore, #tpu.memory_space<semaphore_mem>>)
    %dma_wait3A_243 = arith.constant 144 : i32
    %dma_wait3A_244 = tpu.memref_slice %arg5[%dma_wait3A_243] : memref<512xi32, #tpu.memory_space<vmem>> -> memref<16xi32, #tpu.memory_space<vmem>>
    %dma_wait3A_245 = arith.constant 0 : i32
    %dma_wait3A_246 = arith.constant 0 : i32
    %dma_wait3A_247 = tpu.memref_slice %arg3[%dma_wait3A_245, %dma_wait3A_246] : memref<100000x1024xf32, #tpu.memory_space<hbm>> -> memref<100000x1024xf32, #tpu.memory_space<hbm>>
    tpu.wait_indirect_dma semaphore(%arg15 : memref<!tpu.dma_semaphore, #tpu.memory_space<semaphore_mem>>) src(%dma_wait3A_247 : memref<100000x1024xf32, #tpu.memory_space<hbm>>) dst(%arg9 : memref<16x1024xf32, #tpu.memory_space<vmem>>)
    %add3A_248 = arith.constant 144 : i32
    %add3A_249 = arith.addi %mul3A_2, %add3A_248 : i32
    %dma_start3A_250 = arith.constant 0 : i32
    %dma_start3A_251 = tpu.memref_slice %arg4[%add3A_249, %dma_start3A_250] : memref<16384x1024xf32, #tpu.memory_space<hbm>> -> memref<16x1024xf32, #tpu.memory_space<hbm>>
    %dma_start3A_252 = arith.constant 0 : i32
    %dma_start3A_253 = tpu.memref_slice %arg4[%add3A_249, %dma_start3A_252] : memref<16384x1024xf32, #tpu.memory_space<hbm>> -> memref<16x1024xf32, #tpu.memory_space<hbm>>
    tpu.enqueue_dma source(%arg9 : memref<16x1024xf32, #tpu.memory_space<vmem>>) target(%dma_start3A_253 : memref<16x1024xf32, #tpu.memory_space<hbm>>) target_semaphore(%arg21 : memref<!tpu.dma_semaphore, #tpu.memory_space<semaphore_mem>>)
    %dma_wait3A_254 = arith.constant 0 : i32
    %dma_wait3A_255 = tpu.memref_slice %arg4[%add3A_249, %dma_wait3A_254] : memref<16384x1024xf32, #tpu.memory_space<hbm>> -> memref<16x1024xf32, #tpu.memory_space<hbm>>
    %dma_wait3A_256 = arith.constant 0 : i32
    %dma_wait3A_257 = tpu.memref_slice %arg4[%add3A_249, %dma_wait3A_256] : memref<16384x1024xf32, #tpu.memory_space<hbm>> -> memref<16x1024xf32, #tpu.memory_space<hbm>>
    tpu.wait_dma2 semaphore(%arg21 : memref<!tpu.dma_semaphore, #tpu.memory_space<semaphore_mem>>) src(%arg9 : memref<16x1024xf32, #tpu.memory_space<vmem>>) dst(%dma_wait3A_257 : memref<16x1024xf32, #tpu.memory_space<hbm>>)
    %dma_start3A_258 = arith.constant 240 : i32
    %dma_start3A_259 = tpu.memref_slice %arg5[%dma_start3A_258] : memref<512xi32, #tpu.memory_space<vmem>> -> memref<16xi32, #tpu.memory_space<vmem>>
    %dma_start3A_260 = arith.constant 0 : i32
    %dma_start3A_261 = arith.constant 0 : i32
    %dma_start3A_262 = tpu.memref_slice %arg3[%dma_start3A_260, %dma_start3A_261] : memref<100000x1024xf32, #tpu.memory_space<hbm>> -> memref<100000x1024xf32, #tpu.memory_space<hbm>>
    tpu.enqueue_indirect_dma source(%dma_start3A_262 : memref<100000x1024xf32, #tpu.memory_space<hbm>>) target(%arg9 : memref<16x1024xf32, #tpu.memory_space<vmem>>) offsets(%dma_start3A_259 : memref<16xi32, #tpu.memory_space<vmem>>) semaphore(%arg15 : memref<!tpu.dma_semaphore, #tpu.memory_space<semaphore_mem>>)
    %dma_wait3A_263 = arith.constant 160 : i32
    %dma_wait3A_264 = tpu.memref_slice %arg5[%dma_wait3A_263] : memref<512xi32, #tpu.memory_space<vmem>> -> memref<16xi32, #tpu.memory_space<vmem>>
    %dma_wait3A_265 = arith.constant 0 : i32
    %dma_wait3A_266 = arith.constant 0 : i32
    %dma_wait3A_267 = tpu.memref_slice %arg3[%dma_wait3A_265, %dma_wait3A_266] : memref<100000x1024xf32, #tpu.memory_space<hbm>> -> memref<100000x1024xf32, #tpu.memory_space<hbm>>
    tpu.wait_indirect_dma semaphore(%arg16 : memref<!tpu.dma_semaphore, #tpu.memory_space<semaphore_mem>>) src(%dma_wait3A_267 : memref<100000x1024xf32, #tpu.memory_space<hbm>>) dst(%arg10 : memref<16x1024xf32, #tpu.memory_space<vmem>>)
    %add3A_268 = arith.constant 160 : i32
    %add3A_269 = arith.addi %mul3A_2, %add3A_268 : i32
    %dma_start3A_270 = arith.constant 0 : i32
    %dma_start3A_271 = tpu.memref_slice %arg4[%add3A_269, %dma_start3A_270] : memref<16384x1024xf32, #tpu.memory_space<hbm>> -> memref<16x1024xf32, #tpu.memory_space<hbm>>
    %dma_start3A_272 = arith.constant 0 : i32
    %dma_start3A_273 = tpu.memref_slice %arg4[%add3A_269, %dma_start3A_272] : memref<16384x1024xf32, #tpu.memory_space<hbm>> -> memref<16x1024xf32, #tpu.memory_space<hbm>>
    tpu.enqueue_dma source(%arg10 : memref<16x1024xf32, #tpu.memory_space<vmem>>) target(%dma_start3A_273 : memref<16x1024xf32, #tpu.memory_space<hbm>>) target_semaphore(%arg22 : memref<!tpu.dma_semaphore, #tpu.memory_space<semaphore_mem>>)
    %dma_wait3A_274 = arith.constant 0 : i32
    %dma_wait3A_275 = tpu.memref_slice %arg4[%add3A_269, %dma_wait3A_274] : memref<16384x1024xf32, #tpu.memory_space<hbm>> -> memref<16x1024xf32, #tpu.memory_space<hbm>>
    %dma_wait3A_276 = arith.constant 0 : i32
    %dma_wait3A_277 = tpu.memref_slice %arg4[%add3A_269, %dma_wait3A_276] : memref<16384x1024xf32, #tpu.memory_space<hbm>> -> memref<16x1024xf32, #tpu.memory_space<hbm>>
    tpu.wait_dma2 semaphore(%arg22 : memref<!tpu.dma_semaphore, #tpu.memory_space<semaphore_mem>>) src(%arg10 : memref<16x1024xf32, #tpu.memory_space<vmem>>) dst(%dma_wait3A_277 : memref<16x1024xf32, #tpu.memory_space<hbm>>)
    %dma_start3A_278 = arith.constant 256 : i32
    %dma_start3A_279 = tpu.memref_slice %arg5[%dma_start3A_278] : memref<512xi32, #tpu.memory_space<vmem>> -> memref<16xi32, #tpu.memory_space<vmem>>
    %dma_start3A_280 = arith.constant 0 : i32
    %dma_start3A_281 = arith.constant 0 : i32
    %dma_start3A_282 = tpu.memref_slice %arg3[%dma_start3A_280, %dma_start3A_281] : memref<100000x1024xf32, #tpu.memory_space<hbm>> -> memref<100000x1024xf32, #tpu.memory_space<hbm>>
    tpu.enqueue_indirect_dma source(%dma_start3A_282 : memref<100000x1024xf32, #tpu.memory_space<hbm>>) target(%arg10 : memref<16x1024xf32, #tpu.memory_space<vmem>>) offsets(%dma_start3A_279 : memref<16xi32, #tpu.memory_space<vmem>>) semaphore(%arg16 : memref<!tpu.dma_semaphore, #tpu.memory_space<semaphore_mem>>)
    %dma_wait3A_283 = arith.constant 176 : i32
    %dma_wait3A_284 = tpu.memref_slice %arg5[%dma_wait3A_283] : memref<512xi32, #tpu.memory_space<vmem>> -> memref<16xi32, #tpu.memory_space<vmem>>
    %dma_wait3A_285 = arith.constant 0 : i32
    %dma_wait3A_286 = arith.constant 0 : i32
    %dma_wait3A_287 = tpu.memref_slice %arg3[%dma_wait3A_285, %dma_wait3A_286] : memref<100000x1024xf32, #tpu.memory_space<hbm>> -> memref<100000x1024xf32, #tpu.memory_space<hbm>>
    tpu.wait_indirect_dma semaphore(%arg17 : memref<!tpu.dma_semaphore, #tpu.memory_space<semaphore_mem>>) src(%dma_wait3A_287 : memref<100000x1024xf32, #tpu.memory_space<hbm>>) dst(%arg11 : memref<16x1024xf32, #tpu.memory_space<vmem>>)
    %add3A_288 = arith.constant 176 : i32
    %add3A_289 = arith.addi %mul3A_2, %add3A_288 : i32
    %dma_start3A_290 = arith.constant 0 : i32
    %dma_start3A_291 = tpu.memref_slice %arg4[%add3A_289, %dma_start3A_290] : memref<16384x1024xf32, #tpu.memory_space<hbm>> -> memref<16x1024xf32, #tpu.memory_space<hbm>>
    %dma_start3A_292 = arith.constant 0 : i32
    %dma_start3A_293 = tpu.memref_slice %arg4[%add3A_289, %dma_start3A_292] : memref<16384x1024xf32, #tpu.memory_space<hbm>> -> memref<16x1024xf32, #tpu.memory_space<hbm>>
    tpu.enqueue_dma source(%arg11 : memref<16x1024xf32, #tpu.memory_space<vmem>>) target(%dma_start3A_293 : memref<16x1024xf32, #tpu.memory_space<hbm>>) target_semaphore(%arg23 : memref<!tpu.dma_semaphore, #tpu.memory_space<semaphore_mem>>)
    %dma_wait3A_294 = arith.constant 0 : i32
    %dma_wait3A_295 = tpu.memref_slice %arg4[%add3A_289, %dma_wait3A_294] : memref<16384x1024xf32, #tpu.memory_space<hbm>> -> memref<16x1024xf32, #tpu.memory_space<hbm>>
    %dma_wait3A_296 = arith.constant 0 : i32
    %dma_wait3A_297 = tpu.memref_slice %arg4[%add3A_289, %dma_wait3A_296] : memref<16384x1024xf32, #tpu.memory_space<hbm>> -> memref<16x1024xf32, #tpu.memory_space<hbm>>
    tpu.wait_dma2 semaphore(%arg23 : memref<!tpu.dma_semaphore, #tpu.memory_space<semaphore_mem>>) src(%arg11 : memref<16x1024xf32, #tpu.memory_space<vmem>>) dst(%dma_wait3A_297 : memref<16x1024xf32, #tpu.memory_space<hbm>>)
    %dma_start3A_298 = arith.constant 272 : i32
    %dma_start3A_299 = tpu.memref_slice %arg5[%dma_start3A_298] : memref<512xi32, #tpu.memory_space<vmem>> -> memref<16xi32, #tpu.memory_space<vmem>>
    %dma_start3A_300 = arith.constant 0 : i32
    %dma_start3A_301 = arith.constant 0 : i32
    %dma_start3A_302 = tpu.memref_slice %arg3[%dma_start3A_300, %dma_start3A_301] : memref<100000x1024xf32, #tpu.memory_space<hbm>> -> memref<100000x1024xf32, #tpu.memory_space<hbm>>
    tpu.enqueue_indirect_dma source(%dma_start3A_302 : memref<100000x1024xf32, #tpu.memory_space<hbm>>) target(%arg11 : memref<16x1024xf32, #tpu.memory_space<vmem>>) offsets(%dma_start3A_299 : memref<16xi32, #tpu.memory_space<vmem>>) semaphore(%arg17 : memref<!tpu.dma_semaphore, #tpu.memory_space<semaphore_mem>>)
    %dma_wait3A_303 = arith.constant 192 : i32
    %dma_wait3A_304 = tpu.memref_slice %arg5[%dma_wait3A_303] : memref<512xi32, #tpu.memory_space<vmem>> -> memref<16xi32, #tpu.memory_space<vmem>>
    %dma_wait3A_305 = arith.constant 0 : i32
    %dma_wait3A_306 = arith.constant 0 : i32
    %dma_wait3A_307 = tpu.memref_slice %arg3[%dma_wait3A_305, %dma_wait3A_306] : memref<100000x1024xf32, #tpu.memory_space<hbm>> -> memref<100000x1024xf32, #tpu.memory_space<hbm>>
    tpu.wait_indirect_dma semaphore(%arg12 : memref<!tpu.dma_semaphore, #tpu.memory_space<semaphore_mem>>) src(%dma_wait3A_307 : memref<100000x1024xf32, #tpu.memory_space<hbm>>) dst(%arg6 : memref<16x1024xf32, #tpu.memory_space<vmem>>)
    %add3A_308 = arith.constant 192 : i32
    %add3A_309 = arith.addi %mul3A_2, %add3A_308 : i32
    %dma_start3A_310 = arith.constant 0 : i32
    %dma_start3A_311 = tpu.memref_slice %arg4[%add3A_309, %dma_start3A_310] : memref<16384x1024xf32, #tpu.memory_space<hbm>> -> memref<16x1024xf32, #tpu.memory_space<hbm>>
    %dma_start3A_312 = arith.constant 0 : i32
    %dma_start3A_313 = tpu.memref_slice %arg4[%add3A_309, %dma_start3A_312] : memref<16384x1024xf32, #tpu.memory_space<hbm>> -> memref<16x1024xf32, #tpu.memory_space<hbm>>
    tpu.enqueue_dma source(%arg6 : memref<16x1024xf32, #tpu.memory_space<vmem>>) target(%dma_start3A_313 : memref<16x1024xf32, #tpu.memory_space<hbm>>) target_semaphore(%arg18 : memref<!tpu.dma_semaphore, #tpu.memory_space<semaphore_mem>>)
    %dma_wait3A_314 = arith.constant 0 : i32
    %dma_wait3A_315 = tpu.memref_slice %arg4[%add3A_309, %dma_wait3A_314] : memref<16384x1024xf32, #tpu.memory_space<hbm>> -> memref<16x1024xf32, #tpu.memory_space<hbm>>
    %dma_wait3A_316 = arith.constant 0 : i32
    %dma_wait3A_317 = tpu.memref_slice %arg4[%add3A_309, %dma_wait3A_316] : memref<16384x1024xf32, #tpu.memory_space<hbm>> -> memref<16x1024xf32, #tpu.memory_space<hbm>>
    tpu.wait_dma2 semaphore(%arg18 : memref<!tpu.dma_semaphore, #tpu.memory_space<semaphore_mem>>) src(%arg6 : memref<16x1024xf32, #tpu.memory_space<vmem>>) dst(%dma_wait3A_317 : memref<16x1024xf32, #tpu.memory_space<hbm>>)
    %dma_start3A_318 = arith.constant 288 : i32
    %dma_start3A_319 = tpu.memref_slice %arg5[%dma_start3A_318] : memref<512xi32, #tpu.memory_space<vmem>> -> memref<16xi32, #tpu.memory_space<vmem>>
    %dma_start3A_320 = arith.constant 0 : i32
    %dma_start3A_321 = arith.constant 0 : i32
    %dma_start3A_322 = tpu.memref_slice %arg3[%dma_start3A_320, %dma_start3A_321] : memref<100000x1024xf32, #tpu.memory_space<hbm>> -> memref<100000x1024xf32, #tpu.memory_space<hbm>>
    tpu.enqueue_indirect_dma source(%dma_start3A_322 : memref<100000x1024xf32, #tpu.memory_space<hbm>>) target(%arg6 : memref<16x1024xf32, #tpu.memory_space<vmem>>) offsets(%dma_start3A_319 : memref<16xi32, #tpu.memory_space<vmem>>) semaphore(%arg12 : memref<!tpu.dma_semaphore, #tpu.memory_space<semaphore_mem>>)
    %dma_wait3A_323 = arith.constant 208 : i32
    %dma_wait3A_324 = tpu.memref_slice %arg5[%dma_wait3A_323] : memref<512xi32, #tpu.memory_space<vmem>> -> memref<16xi32, #tpu.memory_space<vmem>>
    %dma_wait3A_325 = arith.constant 0 : i32
    %dma_wait3A_326 = arith.constant 0 : i32
    %dma_wait3A_327 = tpu.memref_slice %arg3[%dma_wait3A_325, %dma_wait3A_326] : memref<100000x1024xf32, #tpu.memory_space<hbm>> -> memref<100000x1024xf32, #tpu.memory_space<hbm>>
    tpu.wait_indirect_dma semaphore(%arg13 : memref<!tpu.dma_semaphore, #tpu.memory_space<semaphore_mem>>) src(%dma_wait3A_327 : memref<100000x1024xf32, #tpu.memory_space<hbm>>) dst(%arg7 : memref<16x1024xf32, #tpu.memory_space<vmem>>)
    %add3A_328 = arith.constant 208 : i32
    %add3A_329 = arith.addi %mul3A_2, %add3A_328 : i32
    %dma_start3A_330 = arith.constant 0 : i32
    %dma_start3A_331 = tpu.memref_slice %arg4[%add3A_329, %dma_start3A_330] : memref<16384x1024xf32, #tpu.memory_space<hbm>> -> memref<16x1024xf32, #tpu.memory_space<hbm>>
    %dma_start3A_332 = arith.constant 0 : i32
    %dma_start3A_333 = tpu.memref_slice %arg4[%add3A_329, %dma_start3A_332] : memref<16384x1024xf32, #tpu.memory_space<hbm>> -> memref<16x1024xf32, #tpu.memory_space<hbm>>
    tpu.enqueue_dma source(%arg7 : memref<16x1024xf32, #tpu.memory_space<vmem>>) target(%dma_start3A_333 : memref<16x1024xf32, #tpu.memory_space<hbm>>) target_semaphore(%arg19 : memref<!tpu.dma_semaphore, #tpu.memory_space<semaphore_mem>>)
    %dma_wait3A_334 = arith.constant 0 : i32
    %dma_wait3A_335 = tpu.memref_slice %arg4[%add3A_329, %dma_wait3A_334] : memref<16384x1024xf32, #tpu.memory_space<hbm>> -> memref<16x1024xf32, #tpu.memory_space<hbm>>
    %dma_wait3A_336 = arith.constant 0 : i32
    %dma_wait3A_337 = tpu.memref_slice %arg4[%add3A_329, %dma_wait3A_336] : memref<16384x1024xf32, #tpu.memory_space<hbm>> -> memref<16x1024xf32, #tpu.memory_space<hbm>>
    tpu.wait_dma2 semaphore(%arg19 : memref<!tpu.dma_semaphore, #tpu.memory_space<semaphore_mem>>) src(%arg7 : memref<16x1024xf32, #tpu.memory_space<vmem>>) dst(%dma_wait3A_337 : memref<16x1024xf32, #tpu.memory_space<hbm>>)
    %dma_start3A_338 = arith.constant 304 : i32
    %dma_start3A_339 = tpu.memref_slice %arg5[%dma_start3A_338] : memref<512xi32, #tpu.memory_space<vmem>> -> memref<16xi32, #tpu.memory_space<vmem>>
    %dma_start3A_340 = arith.constant 0 : i32
    %dma_start3A_341 = arith.constant 0 : i32
    %dma_start3A_342 = tpu.memref_slice %arg3[%dma_start3A_340, %dma_start3A_341] : memref<100000x1024xf32, #tpu.memory_space<hbm>> -> memref<100000x1024xf32, #tpu.memory_space<hbm>>
    tpu.enqueue_indirect_dma source(%dma_start3A_342 : memref<100000x1024xf32, #tpu.memory_space<hbm>>) target(%arg7 : memref<16x1024xf32, #tpu.memory_space<vmem>>) offsets(%dma_start3A_339 : memref<16xi32, #tpu.memory_space<vmem>>) semaphore(%arg13 : memref<!tpu.dma_semaphore, #tpu.memory_space<semaphore_mem>>)
    %dma_wait3A_343 = arith.constant 224 : i32
    %dma_wait3A_344 = tpu.memref_slice %arg5[%dma_wait3A_343] : memref<512xi32, #tpu.memory_space<vmem>> -> memref<16xi32, #tpu.memory_space<vmem>>
    %dma_wait3A_345 = arith.constant 0 : i32
    %dma_wait3A_346 = arith.constant 0 : i32
    %dma_wait3A_347 = tpu.memref_slice %arg3[%dma_wait3A_345, %dma_wait3A_346] : memref<100000x1024xf32, #tpu.memory_space<hbm>> -> memref<100000x1024xf32, #tpu.memory_space<hbm>>
    tpu.wait_indirect_dma semaphore(%arg14 : memref<!tpu.dma_semaphore, #tpu.memory_space<semaphore_mem>>) src(%dma_wait3A_347 : memref<100000x1024xf32, #tpu.memory_space<hbm>>) dst(%arg8 : memref<16x1024xf32, #tpu.memory_space<vmem>>)
    %add3A_348 = arith.constant 224 : i32
    %add3A_349 = arith.addi %mul3A_2, %add3A_348 : i32
    %dma_start3A_350 = arith.constant 0 : i32
    %dma_start3A_351 = tpu.memref_slice %arg4[%add3A_349, %dma_start3A_350] : memref<16384x1024xf32, #tpu.memory_space<hbm>> -> memref<16x1024xf32, #tpu.memory_space<hbm>>
    %dma_start3A_352 = arith.constant 0 : i32
    %dma_start3A_353 = tpu.memref_slice %arg4[%add3A_349, %dma_start3A_352] : memref<16384x1024xf32, #tpu.memory_space<hbm>> -> memref<16x1024xf32, #tpu.memory_space<hbm>>
    tpu.enqueue_dma source(%arg8 : memref<16x1024xf32, #tpu.memory_space<vmem>>) target(%dma_start3A_353 : memref<16x1024xf32, #tpu.memory_space<hbm>>) target_semaphore(%arg20 : memref<!tpu.dma_semaphore, #tpu.memory_space<semaphore_mem>>)
    %dma_wait3A_354 = arith.constant 0 : i32
    %dma_wait3A_355 = tpu.memref_slice %arg4[%add3A_349, %dma_wait3A_354] : memref<16384x1024xf32, #tpu.memory_space<hbm>> -> memref<16x1024xf32, #tpu.memory_space<hbm>>
    %dma_wait3A_356 = arith.constant 0 : i32
    %dma_wait3A_357 = tpu.memref_slice %arg4[%add3A_349, %dma_wait3A_356] : memref<16384x1024xf32, #tpu.memory_space<hbm>> -> memref<16x1024xf32, #tpu.memory_space<hbm>>
    tpu.wait_dma2 semaphore(%arg20 : memref<!tpu.dma_semaphore, #tpu.memory_space<semaphore_mem>>) src(%arg8 : memref<16x1024xf32, #tpu.memory_space<vmem>>) dst(%dma_wait3A_357 : memref<16x1024xf32, #tpu.memory_space<hbm>>)
    %dma_start3A_358 = arith.constant 320 : i32
    %dma_start3A_359 = tpu.memref_slice %arg5[%dma_start3A_358] : memref<512xi32, #tpu.memory_space<vmem>> -> memref<16xi32, #tpu.memory_space<vmem>>
    %dma_start3A_360 = arith.constant 0 : i32
    %dma_start3A_361 = arith.constant 0 : i32
    %dma_start3A_362 = tpu.memref_slice %arg3[%dma_start3A_360, %dma_start3A_361] : memref<100000x1024xf32, #tpu.memory_space<hbm>> -> memref<100000x1024xf32, #tpu.memory_space<hbm>>
    tpu.enqueue_indirect_dma source(%dma_start3A_362 : memref<100000x1024xf32, #tpu.memory_space<hbm>>) target(%arg8 : memref<16x1024xf32, #tpu.memory_space<vmem>>) offsets(%dma_start3A_359 : memref<16xi32, #tpu.memory_space<vmem>>) semaphore(%arg14 : memref<!tpu.dma_semaphore, #tpu.memory_space<semaphore_mem>>)
    %dma_wait3A_363 = arith.constant 240 : i32
    %dma_wait3A_364 = tpu.memref_slice %arg5[%dma_wait3A_363] : memref<512xi32, #tpu.memory_space<vmem>> -> memref<16xi32, #tpu.memory_space<vmem>>
    %dma_wait3A_365 = arith.constant 0 : i32
    %dma_wait3A_366 = arith.constant 0 : i32
    %dma_wait3A_367 = tpu.memref_slice %arg3[%dma_wait3A_365, %dma_wait3A_366] : memref<100000x1024xf32, #tpu.memory_space<hbm>> -> memref<100000x1024xf32, #tpu.memory_space<hbm>>
    tpu.wait_indirect_dma semaphore(%arg15 : memref<!tpu.dma_semaphore, #tpu.memory_space<semaphore_mem>>) src(%dma_wait3A_367 : memref<100000x1024xf32, #tpu.memory_space<hbm>>) dst(%arg9 : memref<16x1024xf32, #tpu.memory_space<vmem>>)
    %add3A_368 = arith.constant 240 : i32
    %add3A_369 = arith.addi %mul3A_2, %add3A_368 : i32
    %dma_start3A_370 = arith.constant 0 : i32
    %dma_start3A_371 = tpu.memref_slice %arg4[%add3A_369, %dma_start3A_370] : memref<16384x1024xf32, #tpu.memory_space<hbm>> -> memref<16x1024xf32, #tpu.memory_space<hbm>>
    %dma_start3A_372 = arith.constant 0 : i32
    %dma_start3A_373 = tpu.memref_slice %arg4[%add3A_369, %dma_start3A_372] : memref<16384x1024xf32, #tpu.memory_space<hbm>> -> memref<16x1024xf32, #tpu.memory_space<hbm>>
    tpu.enqueue_dma source(%arg9 : memref<16x1024xf32, #tpu.memory_space<vmem>>) target(%dma_start3A_373 : memref<16x1024xf32, #tpu.memory_space<hbm>>) target_semaphore(%arg21 : memref<!tpu.dma_semaphore, #tpu.memory_space<semaphore_mem>>)
    %dma_wait3A_374 = arith.constant 0 : i32
    %dma_wait3A_375 = tpu.memref_slice %arg4[%add3A_369, %dma_wait3A_374] : memref<16384x1024xf32, #tpu.memory_space<hbm>> -> memref<16x1024xf32, #tpu.memory_space<hbm>>
    %dma_wait3A_376 = arith.constant 0 : i32
    %dma_wait3A_377 = tpu.memref_slice %arg4[%add3A_369, %dma_wait3A_376] : memref<16384x1024xf32, #tpu.memory_space<hbm>> -> memref<16x1024xf32, #tpu.memory_space<hbm>>
    tpu.wait_dma2 semaphore(%arg21 : memref<!tpu.dma_semaphore, #tpu.memory_space<semaphore_mem>>) src(%arg9 : memref<16x1024xf32, #tpu.memory_space<vmem>>) dst(%dma_wait3A_377 : memref<16x1024xf32, #tpu.memory_space<hbm>>)
    %dma_start3A_378 = arith.constant 336 : i32
    %dma_start3A_379 = tpu.memref_slice %arg5[%dma_start3A_378] : memref<512xi32, #tpu.memory_space<vmem>> -> memref<16xi32, #tpu.memory_space<vmem>>
    %dma_start3A_380 = arith.constant 0 : i32
    %dma_start3A_381 = arith.constant 0 : i32
    %dma_start3A_382 = tpu.memref_slice %arg3[%dma_start3A_380, %dma_start3A_381] : memref<100000x1024xf32, #tpu.memory_space<hbm>> -> memref<100000x1024xf32, #tpu.memory_space<hbm>>
    tpu.enqueue_indirect_dma source(%dma_start3A_382 : memref<100000x1024xf32, #tpu.memory_space<hbm>>) target(%arg9 : memref<16x1024xf32, #tpu.memory_space<vmem>>) offsets(%dma_start3A_379 : memref<16xi32, #tpu.memory_space<vmem>>) semaphore(%arg15 : memref<!tpu.dma_semaphore, #tpu.memory_space<semaphore_mem>>)
    %dma_wait3A_383 = arith.constant 256 : i32
    %dma_wait3A_384 = tpu.memref_slice %arg5[%dma_wait3A_383] : memref<512xi32, #tpu.memory_space<vmem>> -> memref<16xi32, #tpu.memory_space<vmem>>
    %dma_wait3A_385 = arith.constant 0 : i32
    %dma_wait3A_386 = arith.constant 0 : i32
    %dma_wait3A_387 = tpu.memref_slice %arg3[%dma_wait3A_385, %dma_wait3A_386] : memref<100000x1024xf32, #tpu.memory_space<hbm>> -> memref<100000x1024xf32, #tpu.memory_space<hbm>>
    tpu.wait_indirect_dma semaphore(%arg16 : memref<!tpu.dma_semaphore, #tpu.memory_space<semaphore_mem>>) src(%dma_wait3A_387 : memref<100000x1024xf32, #tpu.memory_space<hbm>>) dst(%arg10 : memref<16x1024xf32, #tpu.memory_space<vmem>>)
    %add3A_388 = arith.constant 256 : i32
    %add3A_389 = arith.addi %mul3A_2, %add3A_388 : i32
    %dma_start3A_390 = arith.constant 0 : i32
    %dma_start3A_391 = tpu.memref_slice %arg4[%add3A_389, %dma_start3A_390] : memref<16384x1024xf32, #tpu.memory_space<hbm>> -> memref<16x1024xf32, #tpu.memory_space<hbm>>
    %dma_start3A_392 = arith.constant 0 : i32
    %dma_start3A_393 = tpu.memref_slice %arg4[%add3A_389, %dma_start3A_392] : memref<16384x1024xf32, #tpu.memory_space<hbm>> -> memref<16x1024xf32, #tpu.memory_space<hbm>>
    tpu.enqueue_dma source(%arg10 : memref<16x1024xf32, #tpu.memory_space<vmem>>) target(%dma_start3A_393 : memref<16x1024xf32, #tpu.memory_space<hbm>>) target_semaphore(%arg22 : memref<!tpu.dma_semaphore, #tpu.memory_space<semaphore_mem>>)
    %dma_wait3A_394 = arith.constant 0 : i32
    %dma_wait3A_395 = tpu.memref_slice %arg4[%add3A_389, %dma_wait3A_394] : memref<16384x1024xf32, #tpu.memory_space<hbm>> -> memref<16x1024xf32, #tpu.memory_space<hbm>>
    %dma_wait3A_396 = arith.constant 0 : i32
    %dma_wait3A_397 = tpu.memref_slice %arg4[%add3A_389, %dma_wait3A_396] : memref<16384x1024xf32, #tpu.memory_space<hbm>> -> memref<16x1024xf32, #tpu.memory_space<hbm>>
    tpu.wait_dma2 semaphore(%arg22 : memref<!tpu.dma_semaphore, #tpu.memory_space<semaphore_mem>>) src(%arg10 : memref<16x1024xf32, #tpu.memory_space<vmem>>) dst(%dma_wait3A_397 : memref<16x1024xf32, #tpu.memory_space<hbm>>)
    %dma_start3A_398 = arith.constant 352 : i32
    %dma_start3A_399 = tpu.memref_slice %arg5[%dma_start3A_398] : memref<512xi32, #tpu.memory_space<vmem>> -> memref<16xi32, #tpu.memory_space<vmem>>
    %dma_start3A_400 = arith.constant 0 : i32
    %dma_start3A_401 = arith.constant 0 : i32
    %dma_start3A_402 = tpu.memref_slice %arg3[%dma_start3A_400, %dma_start3A_401] : memref<100000x1024xf32, #tpu.memory_space<hbm>> -> memref<100000x1024xf32, #tpu.memory_space<hbm>>
    tpu.enqueue_indirect_dma source(%dma_start3A_402 : memref<100000x1024xf32, #tpu.memory_space<hbm>>) target(%arg10 : memref<16x1024xf32, #tpu.memory_space<vmem>>) offsets(%dma_start3A_399 : memref<16xi32, #tpu.memory_space<vmem>>) semaphore(%arg16 : memref<!tpu.dma_semaphore, #tpu.memory_space<semaphore_mem>>)
    %dma_wait3A_403 = arith.constant 272 : i32
    %dma_wait3A_404 = tpu.memref_slice %arg5[%dma_wait3A_403] : memref<512xi32, #tpu.memory_space<vmem>> -> memref<16xi32, #tpu.memory_space<vmem>>
    %dma_wait3A_405 = arith.constant 0 : i32
    %dma_wait3A_406 = arith.constant 0 : i32
    %dma_wait3A_407 = tpu.memref_slice %arg3[%dma_wait3A_405, %dma_wait3A_406] : memref<100000x1024xf32, #tpu.memory_space<hbm>> -> memref<100000x1024xf32, #tpu.memory_space<hbm>>
    tpu.wait_indirect_dma semaphore(%arg17 : memref<!tpu.dma_semaphore, #tpu.memory_space<semaphore_mem>>) src(%dma_wait3A_407 : memref<100000x1024xf32, #tpu.memory_space<hbm>>) dst(%arg11 : memref<16x1024xf32, #tpu.memory_space<vmem>>)
    %add3A_408 = arith.constant 272 : i32
    %add3A_409 = arith.addi %mul3A_2, %add3A_408 : i32
    %dma_start3A_410 = arith.constant 0 : i32
    %dma_start3A_411 = tpu.memref_slice %arg4[%add3A_409, %dma_start3A_410] : memref<16384x1024xf32, #tpu.memory_space<hbm>> -> memref<16x1024xf32, #tpu.memory_space<hbm>>
    %dma_start3A_412 = arith.constant 0 : i32
    %dma_start3A_413 = tpu.memref_slice %arg4[%add3A_409, %dma_start3A_412] : memref<16384x1024xf32, #tpu.memory_space<hbm>> -> memref<16x1024xf32, #tpu.memory_space<hbm>>
    tpu.enqueue_dma source(%arg11 : memref<16x1024xf32, #tpu.memory_space<vmem>>) target(%dma_start3A_413 : memref<16x1024xf32, #tpu.memory_space<hbm>>) target_semaphore(%arg23 : memref<!tpu.dma_semaphore, #tpu.memory_space<semaphore_mem>>)
    %dma_wait3A_414 = arith.constant 0 : i32
    %dma_wait3A_415 = tpu.memref_slice %arg4[%add3A_409, %dma_wait3A_414] : memref<16384x1024xf32, #tpu.memory_space<hbm>> -> memref<16x1024xf32, #tpu.memory_space<hbm>>
    %dma_wait3A_416 = arith.constant 0 : i32
    %dma_wait3A_417 = tpu.memref_slice %arg4[%add3A_409, %dma_wait3A_416] : memref<16384x1024xf32, #tpu.memory_space<hbm>> -> memref<16x1024xf32, #tpu.memory_space<hbm>>
    tpu.wait_dma2 semaphore(%arg23 : memref<!tpu.dma_semaphore, #tpu.memory_space<semaphore_mem>>) src(%arg11 : memref<16x1024xf32, #tpu.memory_space<vmem>>) dst(%dma_wait3A_417 : memref<16x1024xf32, #tpu.memory_space<hbm>>)
    %dma_start3A_418 = arith.constant 368 : i32
    %dma_start3A_419 = tpu.memref_slice %arg5[%dma_start3A_418] : memref<512xi32, #tpu.memory_space<vmem>> -> memref<16xi32, #tpu.memory_space<vmem>>
    %dma_start3A_420 = arith.constant 0 : i32
    %dma_start3A_421 = arith.constant 0 : i32
    %dma_start3A_422 = tpu.memref_slice %arg3[%dma_start3A_420, %dma_start3A_421] : memref<100000x1024xf32, #tpu.memory_space<hbm>> -> memref<100000x1024xf32, #tpu.memory_space<hbm>>
    tpu.enqueue_indirect_dma source(%dma_start3A_422 : memref<100000x1024xf32, #tpu.memory_space<hbm>>) target(%arg11 : memref<16x1024xf32, #tpu.memory_space<vmem>>) offsets(%dma_start3A_419 : memref<16xi32, #tpu.memory_space<vmem>>) semaphore(%arg17 : memref<!tpu.dma_semaphore, #tpu.memory_space<semaphore_mem>>)
    %dma_wait3A_423 = arith.constant 288 : i32
    %dma_wait3A_424 = tpu.memref_slice %arg5[%dma_wait3A_423] : memref<512xi32, #tpu.memory_space<vmem>> -> memref<16xi32, #tpu.memory_space<vmem>>
    %dma_wait3A_425 = arith.constant 0 : i32
    %dma_wait3A_426 = arith.constant 0 : i32
    %dma_wait3A_427 = tpu.memref_slice %arg3[%dma_wait3A_425, %dma_wait3A_426] : memref<100000x1024xf32, #tpu.memory_space<hbm>> -> memref<100000x1024xf32, #tpu.memory_space<hbm>>
    tpu.wait_indirect_dma semaphore(%arg12 : memref<!tpu.dma_semaphore, #tpu.memory_space<semaphore_mem>>) src(%dma_wait3A_427 : memref<100000x1024xf32, #tpu.memory_space<hbm>>) dst(%arg6 : memref<16x1024xf32, #tpu.memory_space<vmem>>)
    %add3A_428 = arith.constant 288 : i32
    %add3A_429 = arith.addi %mul3A_2, %add3A_428 : i32
    %dma_start3A_430 = arith.constant 0 : i32
    %dma_start3A_431 = tpu.memref_slice %arg4[%add3A_429, %dma_start3A_430] : memref<16384x1024xf32, #tpu.memory_space<hbm>> -> memref<16x1024xf32, #tpu.memory_space<hbm>>
    %dma_start3A_432 = arith.constant 0 : i32
    %dma_start3A_433 = tpu.memref_slice %arg4[%add3A_429, %dma_start3A_432] : memref<16384x1024xf32, #tpu.memory_space<hbm>> -> memref<16x1024xf32, #tpu.memory_space<hbm>>
    tpu.enqueue_dma source(%arg6 : memref<16x1024xf32, #tpu.memory_space<vmem>>) target(%dma_start3A_433 : memref<16x1024xf32, #tpu.memory_space<hbm>>) target_semaphore(%arg18 : memref<!tpu.dma_semaphore, #tpu.memory_space<semaphore_mem>>)
    %dma_wait3A_434 = arith.constant 0 : i32
    %dma_wait3A_435 = tpu.memref_slice %arg4[%add3A_429, %dma_wait3A_434] : memref<16384x1024xf32, #tpu.memory_space<hbm>> -> memref<16x1024xf32, #tpu.memory_space<hbm>>
    %dma_wait3A_436 = arith.constant 0 : i32
    %dma_wait3A_437 = tpu.memref_slice %arg4[%add3A_429, %dma_wait3A_436] : memref<16384x1024xf32, #tpu.memory_space<hbm>> -> memref<16x1024xf32, #tpu.memory_space<hbm>>
    tpu.wait_dma2 semaphore(%arg18 : memref<!tpu.dma_semaphore, #tpu.memory_space<semaphore_mem>>) src(%arg6 : memref<16x1024xf32, #tpu.memory_space<vmem>>) dst(%dma_wait3A_437 : memref<16x1024xf32, #tpu.memory_space<hbm>>)
    %dma_start3A_438 = arith.constant 384 : i32
    %dma_start3A_439 = tpu.memref_slice %arg5[%dma_start3A_438] : memref<512xi32, #tpu.memory_space<vmem>> -> memref<16xi32, #tpu.memory_space<vmem>>
    %dma_start3A_440 = arith.constant 0 : i32
    %dma_start3A_441 = arith.constant 0 : i32
    %dma_start3A_442 = tpu.memref_slice %arg3[%dma_start3A_440, %dma_start3A_441] : memref<100000x1024xf32, #tpu.memory_space<hbm>> -> memref<100000x1024xf32, #tpu.memory_space<hbm>>
    tpu.enqueue_indirect_dma source(%dma_start3A_442 : memref<100000x1024xf32, #tpu.memory_space<hbm>>) target(%arg6 : memref<16x1024xf32, #tpu.memory_space<vmem>>) offsets(%dma_start3A_439 : memref<16xi32, #tpu.memory_space<vmem>>) semaphore(%arg12 : memref<!tpu.dma_semaphore, #tpu.memory_space<semaphore_mem>>)
    %dma_wait3A_443 = arith.constant 304 : i32
    %dma_wait3A_444 = tpu.memref_slice %arg5[%dma_wait3A_443] : memref<512xi32, #tpu.memory_space<vmem>> -> memref<16xi32, #tpu.memory_space<vmem>>
    %dma_wait3A_445 = arith.constant 0 : i32
    %dma_wait3A_446 = arith.constant 0 : i32
    %dma_wait3A_447 = tpu.memref_slice %arg3[%dma_wait3A_445, %dma_wait3A_446] : memref<100000x1024xf32, #tpu.memory_space<hbm>> -> memref<100000x1024xf32, #tpu.memory_space<hbm>>
    tpu.wait_indirect_dma semaphore(%arg13 : memref<!tpu.dma_semaphore, #tpu.memory_space<semaphore_mem>>) src(%dma_wait3A_447 : memref<100000x1024xf32, #tpu.memory_space<hbm>>) dst(%arg7 : memref<16x1024xf32, #tpu.memory_space<vmem>>)
    %add3A_448 = arith.constant 304 : i32
    %add3A_449 = arith.addi %mul3A_2, %add3A_448 : i32
    %dma_start3A_450 = arith.constant 0 : i32
    %dma_start3A_451 = tpu.memref_slice %arg4[%add3A_449, %dma_start3A_450] : memref<16384x1024xf32, #tpu.memory_space<hbm>> -> memref<16x1024xf32, #tpu.memory_space<hbm>>
    %dma_start3A_452 = arith.constant 0 : i32
    %dma_start3A_453 = tpu.memref_slice %arg4[%add3A_449, %dma_start3A_452] : memref<16384x1024xf32, #tpu.memory_space<hbm>> -> memref<16x1024xf32, #tpu.memory_space<hbm>>
    tpu.enqueue_dma source(%arg7 : memref<16x1024xf32, #tpu.memory_space<vmem>>) target(%dma_start3A_453 : memref<16x1024xf32, #tpu.memory_space<hbm>>) target_semaphore(%arg19 : memref<!tpu.dma_semaphore, #tpu.memory_space<semaphore_mem>>)
    %dma_wait3A_454 = arith.constant 0 : i32
    %dma_wait3A_455 = tpu.memref_slice %arg4[%add3A_449, %dma_wait3A_454] : memref<16384x1024xf32, #tpu.memory_space<hbm>> -> memref<16x1024xf32, #tpu.memory_space<hbm>>
    %dma_wait3A_456 = arith.constant 0 : i32
    %dma_wait3A_457 = tpu.memref_slice %arg4[%add3A_449, %dma_wait3A_456] : memref<16384x1024xf32, #tpu.memory_space<hbm>> -> memref<16x1024xf32, #tpu.memory_space<hbm>>
    tpu.wait_dma2 semaphore(%arg19 : memref<!tpu.dma_semaphore, #tpu.memory_space<semaphore_mem>>) src(%arg7 : memref<16x1024xf32, #tpu.memory_space<vmem>>) dst(%dma_wait3A_457 : memref<16x1024xf32, #tpu.memory_space<hbm>>)
    %dma_start3A_458 = arith.constant 400 : i32
    %dma_start3A_459 = tpu.memref_slice %arg5[%dma_start3A_458] : memref<512xi32, #tpu.memory_space<vmem>> -> memref<16xi32, #tpu.memory_space<vmem>>
    %dma_start3A_460 = arith.constant 0 : i32
    %dma_start3A_461 = arith.constant 0 : i32
    %dma_start3A_462 = tpu.memref_slice %arg3[%dma_start3A_460, %dma_start3A_461] : memref<100000x1024xf32, #tpu.memory_space<hbm>> -> memref<100000x1024xf32, #tpu.memory_space<hbm>>
    tpu.enqueue_indirect_dma source(%dma_start3A_462 : memref<100000x1024xf32, #tpu.memory_space<hbm>>) target(%arg7 : memref<16x1024xf32, #tpu.memory_space<vmem>>) offsets(%dma_start3A_459 : memref<16xi32, #tpu.memory_space<vmem>>) semaphore(%arg13 : memref<!tpu.dma_semaphore, #tpu.memory_space<semaphore_mem>>)
    %dma_wait3A_463 = arith.constant 320 : i32
    %dma_wait3A_464 = tpu.memref_slice %arg5[%dma_wait3A_463] : memref<512xi32, #tpu.memory_space<vmem>> -> memref<16xi32, #tpu.memory_space<vmem>>
    %dma_wait3A_465 = arith.constant 0 : i32
    %dma_wait3A_466 = arith.constant 0 : i32
    %dma_wait3A_467 = tpu.memref_slice %arg3[%dma_wait3A_465, %dma_wait3A_466] : memref<100000x1024xf32, #tpu.memory_space<hbm>> -> memref<100000x1024xf32, #tpu.memory_space<hbm>>
    tpu.wait_indirect_dma semaphore(%arg14 : memref<!tpu.dma_semaphore, #tpu.memory_space<semaphore_mem>>) src(%dma_wait3A_467 : memref<100000x1024xf32, #tpu.memory_space<hbm>>) dst(%arg8 : memref<16x1024xf32, #tpu.memory_space<vmem>>)
    %add3A_468 = arith.constant 320 : i32
    %add3A_469 = arith.addi %mul3A_2, %add3A_468 : i32
    %dma_start3A_470 = arith.constant 0 : i32
    %dma_start3A_471 = tpu.memref_slice %arg4[%add3A_469, %dma_start3A_470] : memref<16384x1024xf32, #tpu.memory_space<hbm>> -> memref<16x1024xf32, #tpu.memory_space<hbm>>
    %dma_start3A_472 = arith.constant 0 : i32
    %dma_start3A_473 = tpu.memref_slice %arg4[%add3A_469, %dma_start3A_472] : memref<16384x1024xf32, #tpu.memory_space<hbm>> -> memref<16x1024xf32, #tpu.memory_space<hbm>>
    tpu.enqueue_dma source(%arg8 : memref<16x1024xf32, #tpu.memory_space<vmem>>) target(%dma_start3A_473 : memref<16x1024xf32, #tpu.memory_space<hbm>>) target_semaphore(%arg20 : memref<!tpu.dma_semaphore, #tpu.memory_space<semaphore_mem>>)
    %dma_wait3A_474 = arith.constant 0 : i32
    %dma_wait3A_475 = tpu.memref_slice %arg4[%add3A_469, %dma_wait3A_474] : memref<16384x1024xf32, #tpu.memory_space<hbm>> -> memref<16x1024xf32, #tpu.memory_space<hbm>>
    %dma_wait3A_476 = arith.constant 0 : i32
    %dma_wait3A_477 = tpu.memref_slice %arg4[%add3A_469, %dma_wait3A_476] : memref<16384x1024xf32, #tpu.memory_space<hbm>> -> memref<16x1024xf32, #tpu.memory_space<hbm>>
    tpu.wait_dma2 semaphore(%arg20 : memref<!tpu.dma_semaphore, #tpu.memory_space<semaphore_mem>>) src(%arg8 : memref<16x1024xf32, #tpu.memory_space<vmem>>) dst(%dma_wait3A_477 : memref<16x1024xf32, #tpu.memory_space<hbm>>)
    %dma_start3A_478 = arith.constant 416 : i32
    %dma_start3A_479 = tpu.memref_slice %arg5[%dma_start3A_478] : memref<512xi32, #tpu.memory_space<vmem>> -> memref<16xi32, #tpu.memory_space<vmem>>
    %dma_start3A_480 = arith.constant 0 : i32
    %dma_start3A_481 = arith.constant 0 : i32
    %dma_start3A_482 = tpu.memref_slice %arg3[%dma_start3A_480, %dma_start3A_481] : memref<100000x1024xf32, #tpu.memory_space<hbm>> -> memref<100000x1024xf32, #tpu.memory_space<hbm>>
    tpu.enqueue_indirect_dma source(%dma_start3A_482 : memref<100000x1024xf32, #tpu.memory_space<hbm>>) target(%arg8 : memref<16x1024xf32, #tpu.memory_space<vmem>>) offsets(%dma_start3A_479 : memref<16xi32, #tpu.memory_space<vmem>>) semaphore(%arg14 : memref<!tpu.dma_semaphore, #tpu.memory_space<semaphore_mem>>)
    %dma_wait3A_483 = arith.constant 336 : i32
    %dma_wait3A_484 = tpu.memref_slice %arg5[%dma_wait3A_483] : memref<512xi32, #tpu.memory_space<vmem>> -> memref<16xi32, #tpu.memory_space<vmem>>
    %dma_wait3A_485 = arith.constant 0 : i32
    %dma_wait3A_486 = arith.constant 0 : i32
    %dma_wait3A_487 = tpu.memref_slice %arg3[%dma_wait3A_485, %dma_wait3A_486] : memref<100000x1024xf32, #tpu.memory_space<hbm>> -> memref<100000x1024xf32, #tpu.memory_space<hbm>>
    tpu.wait_indirect_dma semaphore(%arg15 : memref<!tpu.dma_semaphore, #tpu.memory_space<semaphore_mem>>) src(%dma_wait3A_487 : memref<100000x1024xf32, #tpu.memory_space<hbm>>) dst(%arg9 : memref<16x1024xf32, #tpu.memory_space<vmem>>)
    %add3A_488 = arith.constant 336 : i32
    %add3A_489 = arith.addi %mul3A_2, %add3A_488 : i32
    %dma_start3A_490 = arith.constant 0 : i32
    %dma_start3A_491 = tpu.memref_slice %arg4[%add3A_489, %dma_start3A_490] : memref<16384x1024xf32, #tpu.memory_space<hbm>> -> memref<16x1024xf32, #tpu.memory_space<hbm>>
    %dma_start3A_492 = arith.constant 0 : i32
    %dma_start3A_493 = tpu.memref_slice %arg4[%add3A_489, %dma_start3A_492] : memref<16384x1024xf32, #tpu.memory_space<hbm>> -> memref<16x1024xf32, #tpu.memory_space<hbm>>
    tpu.enqueue_dma source(%arg9 : memref<16x1024xf32, #tpu.memory_space<vmem>>) target(%dma_start3A_493 : memref<16x1024xf32, #tpu.memory_space<hbm>>) target_semaphore(%arg21 : memref<!tpu.dma_semaphore, #tpu.memory_space<semaphore_mem>>)
    %dma_wait3A_494 = arith.constant 0 : i32
    %dma_wait3A_495 = tpu.memref_slice %arg4[%add3A_489, %dma_wait3A_494] : memref<16384x1024xf32, #tpu.memory_space<hbm>> -> memref<16x1024xf32, #tpu.memory_space<hbm>>
    %dma_wait3A_496 = arith.constant 0 : i32
    %dma_wait3A_497 = tpu.memref_slice %arg4[%add3A_489, %dma_wait3A_496] : memref<16384x1024xf32, #tpu.memory_space<hbm>> -> memref<16x1024xf32, #tpu.memory_space<hbm>>
    tpu.wait_dma2 semaphore(%arg21 : memref<!tpu.dma_semaphore, #tpu.memory_space<semaphore_mem>>) src(%arg9 : memref<16x1024xf32, #tpu.memory_space<vmem>>) dst(%dma_wait3A_497 : memref<16x1024xf32, #tpu.memory_space<hbm>>)
    %dma_start3A_498 = arith.constant 432 : i32
    %dma_start3A_499 = tpu.memref_slice %arg5[%dma_start3A_498] : memref<512xi32, #tpu.memory_space<vmem>> -> memref<16xi32, #tpu.memory_space<vmem>>
    %dma_start3A_500 = arith.constant 0 : i32
    %dma_start3A_501 = arith.constant 0 : i32
    %dma_start3A_502 = tpu.memref_slice %arg3[%dma_start3A_500, %dma_start3A_501] : memref<100000x1024xf32, #tpu.memory_space<hbm>> -> memref<100000x1024xf32, #tpu.memory_space<hbm>>
    tpu.enqueue_indirect_dma source(%dma_start3A_502 : memref<100000x1024xf32, #tpu.memory_space<hbm>>) target(%arg9 : memref<16x1024xf32, #tpu.memory_space<vmem>>) offsets(%dma_start3A_499 : memref<16xi32, #tpu.memory_space<vmem>>) semaphore(%arg15 : memref<!tpu.dma_semaphore, #tpu.memory_space<semaphore_mem>>)
    %dma_wait3A_503 = arith.constant 352 : i32
    %dma_wait3A_504 = tpu.memref_slice %arg5[%dma_wait3A_503] : memref<512xi32, #tpu.memory_space<vmem>> -> memref<16xi32, #tpu.memory_space<vmem>>
    %dma_wait3A_505 = arith.constant 0 : i32
    %dma_wait3A_506 = arith.constant 0 : i32
    %dma_wait3A_507 = tpu.memref_slice %arg3[%dma_wait3A_505, %dma_wait3A_506] : memref<100000x1024xf32, #tpu.memory_space<hbm>> -> memref<100000x1024xf32, #tpu.memory_space<hbm>>
    tpu.wait_indirect_dma semaphore(%arg16 : memref<!tpu.dma_semaphore, #tpu.memory_space<semaphore_mem>>) src(%dma_wait3A_507 : memref<100000x1024xf32, #tpu.memory_space<hbm>>) dst(%arg10 : memref<16x1024xf32, #tpu.memory_space<vmem>>)
    %add3A_508 = arith.constant 352 : i32
    %add3A_509 = arith.addi %mul3A_2, %add3A_508 : i32
    %dma_start3A_510 = arith.constant 0 : i32
    %dma_start3A_511 = tpu.memref_slice %arg4[%add3A_509, %dma_start3A_510] : memref<16384x1024xf32, #tpu.memory_space<hbm>> -> memref<16x1024xf32, #tpu.memory_space<hbm>>
    %dma_start3A_512 = arith.constant 0 : i32
    %dma_start3A_513 = tpu.memref_slice %arg4[%add3A_509, %dma_start3A_512] : memref<16384x1024xf32, #tpu.memory_space<hbm>> -> memref<16x1024xf32, #tpu.memory_space<hbm>>
    tpu.enqueue_dma source(%arg10 : memref<16x1024xf32, #tpu.memory_space<vmem>>) target(%dma_start3A_513 : memref<16x1024xf32, #tpu.memory_space<hbm>>) target_semaphore(%arg22 : memref<!tpu.dma_semaphore, #tpu.memory_space<semaphore_mem>>)
    %dma_wait3A_514 = arith.constant 0 : i32
    %dma_wait3A_515 = tpu.memref_slice %arg4[%add3A_509, %dma_wait3A_514] : memref<16384x1024xf32, #tpu.memory_space<hbm>> -> memref<16x1024xf32, #tpu.memory_space<hbm>>
    %dma_wait3A_516 = arith.constant 0 : i32
    %dma_wait3A_517 = tpu.memref_slice %arg4[%add3A_509, %dma_wait3A_516] : memref<16384x1024xf32, #tpu.memory_space<hbm>> -> memref<16x1024xf32, #tpu.memory_space<hbm>>
    tpu.wait_dma2 semaphore(%arg22 : memref<!tpu.dma_semaphore, #tpu.memory_space<semaphore_mem>>) src(%arg10 : memref<16x1024xf32, #tpu.memory_space<vmem>>) dst(%dma_wait3A_517 : memref<16x1024xf32, #tpu.memory_space<hbm>>)
    %dma_start3A_518 = arith.constant 448 : i32
    %dma_start3A_519 = tpu.memref_slice %arg5[%dma_start3A_518] : memref<512xi32, #tpu.memory_space<vmem>> -> memref<16xi32, #tpu.memory_space<vmem>>
    %dma_start3A_520 = arith.constant 0 : i32
    %dma_start3A_521 = arith.constant 0 : i32
    %dma_start3A_522 = tpu.memref_slice %arg3[%dma_start3A_520, %dma_start3A_521] : memref<100000x1024xf32, #tpu.memory_space<hbm>> -> memref<100000x1024xf32, #tpu.memory_space<hbm>>
    tpu.enqueue_indirect_dma source(%dma_start3A_522 : memref<100000x1024xf32, #tpu.memory_space<hbm>>) target(%arg10 : memref<16x1024xf32, #tpu.memory_space<vmem>>) offsets(%dma_start3A_519 : memref<16xi32, #tpu.memory_space<vmem>>) semaphore(%arg16 : memref<!tpu.dma_semaphore, #tpu.memory_space<semaphore_mem>>)
    %dma_wait3A_523 = arith.constant 368 : i32
    %dma_wait3A_524 = tpu.memref_slice %arg5[%dma_wait3A_523] : memref<512xi32, #tpu.memory_space<vmem>> -> memref<16xi32, #tpu.memory_space<vmem>>
    %dma_wait3A_525 = arith.constant 0 : i32
    %dma_wait3A_526 = arith.constant 0 : i32
    %dma_wait3A_527 = tpu.memref_slice %arg3[%dma_wait3A_525, %dma_wait3A_526] : memref<100000x1024xf32, #tpu.memory_space<hbm>> -> memref<100000x1024xf32, #tpu.memory_space<hbm>>
    tpu.wait_indirect_dma semaphore(%arg17 : memref<!tpu.dma_semaphore, #tpu.memory_space<semaphore_mem>>) src(%dma_wait3A_527 : memref<100000x1024xf32, #tpu.memory_space<hbm>>) dst(%arg11 : memref<16x1024xf32, #tpu.memory_space<vmem>>)
    %add3A_528 = arith.constant 368 : i32
    %add3A_529 = arith.addi %mul3A_2, %add3A_528 : i32
    %dma_start3A_530 = arith.constant 0 : i32
    %dma_start3A_531 = tpu.memref_slice %arg4[%add3A_529, %dma_start3A_530] : memref<16384x1024xf32, #tpu.memory_space<hbm>> -> memref<16x1024xf32, #tpu.memory_space<hbm>>
    %dma_start3A_532 = arith.constant 0 : i32
    %dma_start3A_533 = tpu.memref_slice %arg4[%add3A_529, %dma_start3A_532] : memref<16384x1024xf32, #tpu.memory_space<hbm>> -> memref<16x1024xf32, #tpu.memory_space<hbm>>
    tpu.enqueue_dma source(%arg11 : memref<16x1024xf32, #tpu.memory_space<vmem>>) target(%dma_start3A_533 : memref<16x1024xf32, #tpu.memory_space<hbm>>) target_semaphore(%arg23 : memref<!tpu.dma_semaphore, #tpu.memory_space<semaphore_mem>>)
    %dma_wait3A_534 = arith.constant 0 : i32
    %dma_wait3A_535 = tpu.memref_slice %arg4[%add3A_529, %dma_wait3A_534] : memref<16384x1024xf32, #tpu.memory_space<hbm>> -> memref<16x1024xf32, #tpu.memory_space<hbm>>
    %dma_wait3A_536 = arith.constant 0 : i32
    %dma_wait3A_537 = tpu.memref_slice %arg4[%add3A_529, %dma_wait3A_536] : memref<16384x1024xf32, #tpu.memory_space<hbm>> -> memref<16x1024xf32, #tpu.memory_space<hbm>>
    tpu.wait_dma2 semaphore(%arg23 : memref<!tpu.dma_semaphore, #tpu.memory_space<semaphore_mem>>) src(%arg11 : memref<16x1024xf32, #tpu.memory_space<vmem>>) dst(%dma_wait3A_537 : memref<16x1024xf32, #tpu.memory_space<hbm>>)
    %dma_start3A_538 = arith.constant 464 : i32
    %dma_start3A_539 = tpu.memref_slice %arg5[%dma_start3A_538] : memref<512xi32, #tpu.memory_space<vmem>> -> memref<16xi32, #tpu.memory_space<vmem>>
    %dma_start3A_540 = arith.constant 0 : i32
    %dma_start3A_541 = arith.constant 0 : i32
    %dma_start3A_542 = tpu.memref_slice %arg3[%dma_start3A_540, %dma_start3A_541] : memref<100000x1024xf32, #tpu.memory_space<hbm>> -> memref<100000x1024xf32, #tpu.memory_space<hbm>>
    tpu.enqueue_indirect_dma source(%dma_start3A_542 : memref<100000x1024xf32, #tpu.memory_space<hbm>>) target(%arg11 : memref<16x1024xf32, #tpu.memory_space<vmem>>) offsets(%dma_start3A_539 : memref<16xi32, #tpu.memory_space<vmem>>) semaphore(%arg17 : memref<!tpu.dma_semaphore, #tpu.memory_space<semaphore_mem>>)
    %dma_wait3A_543 = arith.constant 384 : i32
    %dma_wait3A_544 = tpu.memref_slice %arg5[%dma_wait3A_543] : memref<512xi32, #tpu.memory_space<vmem>> -> memref<16xi32, #tpu.memory_space<vmem>>
    %dma_wait3A_545 = arith.constant 0 : i32
    %dma_wait3A_546 = arith.constant 0 : i32
    %dma_wait3A_547 = tpu.memref_slice %arg3[%dma_wait3A_545, %dma_wait3A_546] : memref<100000x1024xf32, #tpu.memory_space<hbm>> -> memref<100000x1024xf32, #tpu.memory_space<hbm>>
    tpu.wait_indirect_dma semaphore(%arg12 : memref<!tpu.dma_semaphore, #tpu.memory_space<semaphore_mem>>) src(%dma_wait3A_547 : memref<100000x1024xf32, #tpu.memory_space<hbm>>) dst(%arg6 : memref<16x1024xf32, #tpu.memory_space<vmem>>)
    %add3A_548 = arith.constant 384 : i32
    %add3A_549 = arith.addi %mul3A_2, %add3A_548 : i32
    %dma_start3A_550 = arith.constant 0 : i32
    %dma_start3A_551 = tpu.memref_slice %arg4[%add3A_549, %dma_start3A_550] : memref<16384x1024xf32, #tpu.memory_space<hbm>> -> memref<16x1024xf32, #tpu.memory_space<hbm>>
    %dma_start3A_552 = arith.constant 0 : i32
    %dma_start3A_553 = tpu.memref_slice %arg4[%add3A_549, %dma_start3A_552] : memref<16384x1024xf32, #tpu.memory_space<hbm>> -> memref<16x1024xf32, #tpu.memory_space<hbm>>
    tpu.enqueue_dma source(%arg6 : memref<16x1024xf32, #tpu.memory_space<vmem>>) target(%dma_start3A_553 : memref<16x1024xf32, #tpu.memory_space<hbm>>) target_semaphore(%arg18 : memref<!tpu.dma_semaphore, #tpu.memory_space<semaphore_mem>>)
    %dma_wait3A_554 = arith.constant 0 : i32
    %dma_wait3A_555 = tpu.memref_slice %arg4[%add3A_549, %dma_wait3A_554] : memref<16384x1024xf32, #tpu.memory_space<hbm>> -> memref<16x1024xf32, #tpu.memory_space<hbm>>
    %dma_wait3A_556 = arith.constant 0 : i32
    %dma_wait3A_557 = tpu.memref_slice %arg4[%add3A_549, %dma_wait3A_556] : memref<16384x1024xf32, #tpu.memory_space<hbm>> -> memref<16x1024xf32, #tpu.memory_space<hbm>>
    tpu.wait_dma2 semaphore(%arg18 : memref<!tpu.dma_semaphore, #tpu.memory_space<semaphore_mem>>) src(%arg6 : memref<16x1024xf32, #tpu.memory_space<vmem>>) dst(%dma_wait3A_557 : memref<16x1024xf32, #tpu.memory_space<hbm>>)
    %dma_start3A_558 = arith.constant 480 : i32
    %dma_start3A_559 = tpu.memref_slice %arg5[%dma_start3A_558] : memref<512xi32, #tpu.memory_space<vmem>> -> memref<16xi32, #tpu.memory_space<vmem>>
    %dma_start3A_560 = arith.constant 0 : i32
    %dma_start3A_561 = arith.constant 0 : i32
    %dma_start3A_562 = tpu.memref_slice %arg3[%dma_start3A_560, %dma_start3A_561] : memref<100000x1024xf32, #tpu.memory_space<hbm>> -> memref<100000x1024xf32, #tpu.memory_space<hbm>>
    tpu.enqueue_indirect_dma source(%dma_start3A_562 : memref<100000x1024xf32, #tpu.memory_space<hbm>>) target(%arg6 : memref<16x1024xf32, #tpu.memory_space<vmem>>) offsets(%dma_start3A_559 : memref<16xi32, #tpu.memory_space<vmem>>) semaphore(%arg12 : memref<!tpu.dma_semaphore, #tpu.memory_space<semaphore_mem>>)
    %dma_wait3A_563 = arith.constant 400 : i32
    %dma_wait3A_564 = tpu.memref_slice %arg5[%dma_wait3A_563] : memref<512xi32, #tpu.memory_space<vmem>> -> memref<16xi32, #tpu.memory_space<vmem>>
    %dma_wait3A_565 = arith.constant 0 : i32
    %dma_wait3A_566 = arith.constant 0 : i32
    %dma_wait3A_567 = tpu.memref_slice %arg3[%dma_wait3A_565, %dma_wait3A_566] : memref<100000x1024xf32, #tpu.memory_space<hbm>> -> memref<100000x1024xf32, #tpu.memory_space<hbm>>
    tpu.wait_indirect_dma semaphore(%arg13 : memref<!tpu.dma_semaphore, #tpu.memory_space<semaphore_mem>>) src(%dma_wait3A_567 : memref<100000x1024xf32, #tpu.memory_space<hbm>>) dst(%arg7 : memref<16x1024xf32, #tpu.memory_space<vmem>>)
    %add3A_568 = arith.constant 400 : i32
    %add3A_569 = arith.addi %mul3A_2, %add3A_568 : i32
    %dma_start3A_570 = arith.constant 0 : i32
    %dma_start3A_571 = tpu.memref_slice %arg4[%add3A_569, %dma_start3A_570] : memref<16384x1024xf32, #tpu.memory_space<hbm>> -> memref<16x1024xf32, #tpu.memory_space<hbm>>
    %dma_start3A_572 = arith.constant 0 : i32
    %dma_start3A_573 = tpu.memref_slice %arg4[%add3A_569, %dma_start3A_572] : memref<16384x1024xf32, #tpu.memory_space<hbm>> -> memref<16x1024xf32, #tpu.memory_space<hbm>>
    tpu.enqueue_dma source(%arg7 : memref<16x1024xf32, #tpu.memory_space<vmem>>) target(%dma_start3A_573 : memref<16x1024xf32, #tpu.memory_space<hbm>>) target_semaphore(%arg19 : memref<!tpu.dma_semaphore, #tpu.memory_space<semaphore_mem>>)
    %dma_wait3A_574 = arith.constant 0 : i32
    %dma_wait3A_575 = tpu.memref_slice %arg4[%add3A_569, %dma_wait3A_574] : memref<16384x1024xf32, #tpu.memory_space<hbm>> -> memref<16x1024xf32, #tpu.memory_space<hbm>>
    %dma_wait3A_576 = arith.constant 0 : i32
    %dma_wait3A_577 = tpu.memref_slice %arg4[%add3A_569, %dma_wait3A_576] : memref<16384x1024xf32, #tpu.memory_space<hbm>> -> memref<16x1024xf32, #tpu.memory_space<hbm>>
    tpu.wait_dma2 semaphore(%arg19 : memref<!tpu.dma_semaphore, #tpu.memory_space<semaphore_mem>>) src(%arg7 : memref<16x1024xf32, #tpu.memory_space<vmem>>) dst(%dma_wait3A_577 : memref<16x1024xf32, #tpu.memory_space<hbm>>)
    %dma_start3A_578 = arith.constant 496 : i32
    %dma_start3A_579 = tpu.memref_slice %arg5[%dma_start3A_578] : memref<512xi32, #tpu.memory_space<vmem>> -> memref<16xi32, #tpu.memory_space<vmem>>
    %dma_start3A_580 = arith.constant 0 : i32
    %dma_start3A_581 = arith.constant 0 : i32
    %dma_start3A_582 = tpu.memref_slice %arg3[%dma_start3A_580, %dma_start3A_581] : memref<100000x1024xf32, #tpu.memory_space<hbm>> -> memref<100000x1024xf32, #tpu.memory_space<hbm>>
    tpu.enqueue_indirect_dma source(%dma_start3A_582 : memref<100000x1024xf32, #tpu.memory_space<hbm>>) target(%arg7 : memref<16x1024xf32, #tpu.memory_space<vmem>>) offsets(%dma_start3A_579 : memref<16xi32, #tpu.memory_space<vmem>>) semaphore(%arg13 : memref<!tpu.dma_semaphore, #tpu.memory_space<semaphore_mem>>)
    %dma_wait3A_583 = arith.constant 416 : i32
    %dma_wait3A_584 = tpu.memref_slice %arg5[%dma_wait3A_583] : memref<512xi32, #tpu.memory_space<vmem>> -> memref<16xi32, #tpu.memory_space<vmem>>
    %dma_wait3A_585 = arith.constant 0 : i32
    %dma_wait3A_586 = arith.constant 0 : i32
    %dma_wait3A_587 = tpu.memref_slice %arg3[%dma_wait3A_585, %dma_wait3A_586] : memref<100000x1024xf32, #tpu.memory_space<hbm>> -> memref<100000x1024xf32, #tpu.memory_space<hbm>>
    tpu.wait_indirect_dma semaphore(%arg14 : memref<!tpu.dma_semaphore, #tpu.memory_space<semaphore_mem>>) src(%dma_wait3A_587 : memref<100000x1024xf32, #tpu.memory_space<hbm>>) dst(%arg8 : memref<16x1024xf32, #tpu.memory_space<vmem>>)
    %add3A_588 = arith.constant 416 : i32
    %add3A_589 = arith.addi %mul3A_2, %add3A_588 : i32
    %dma_start3A_590 = arith.constant 0 : i32
    %dma_start3A_591 = tpu.memref_slice %arg4[%add3A_589, %dma_start3A_590] : memref<16384x1024xf32, #tpu.memory_space<hbm>> -> memref<16x1024xf32, #tpu.memory_space<hbm>>
    %dma_start3A_592 = arith.constant 0 : i32
    %dma_start3A_593 = tpu.memref_slice %arg4[%add3A_589, %dma_start3A_592] : memref<16384x1024xf32, #tpu.memory_space<hbm>> -> memref<16x1024xf32, #tpu.memory_space<hbm>>
    tpu.enqueue_dma source(%arg8 : memref<16x1024xf32, #tpu.memory_space<vmem>>) target(%dma_start3A_593 : memref<16x1024xf32, #tpu.memory_space<hbm>>) target_semaphore(%arg20 : memref<!tpu.dma_semaphore, #tpu.memory_space<semaphore_mem>>)
    %dma_wait3A_594 = arith.constant 432 : i32
    %dma_wait3A_595 = tpu.memref_slice %arg5[%dma_wait3A_594] : memref<512xi32, #tpu.memory_space<vmem>> -> memref<16xi32, #tpu.memory_space<vmem>>
    %dma_wait3A_596 = arith.constant 0 : i32
    %dma_wait3A_597 = arith.constant 0 : i32
    %dma_wait3A_598 = tpu.memref_slice %arg3[%dma_wait3A_596, %dma_wait3A_597] : memref<100000x1024xf32, #tpu.memory_space<hbm>> -> memref<100000x1024xf32, #tpu.memory_space<hbm>>
    tpu.wait_indirect_dma semaphore(%arg15 : memref<!tpu.dma_semaphore, #tpu.memory_space<semaphore_mem>>) src(%dma_wait3A_598 : memref<100000x1024xf32, #tpu.memory_space<hbm>>) dst(%arg9 : memref<16x1024xf32, #tpu.memory_space<vmem>>)
    %add3A_599 = arith.constant 432 : i32
    %add3A_600 = arith.addi %mul3A_2, %add3A_599 : i32
    %dma_start3A_601 = arith.constant 0 : i32
    %dma_start3A_602 = tpu.memref_slice %arg4[%add3A_600, %dma_start3A_601] : memref<16384x1024xf32, #tpu.memory_space<hbm>> -> memref<16x1024xf32, #tpu.memory_space<hbm>>
    %dma_start3A_603 = arith.constant 0 : i32
    %dma_start3A_604 = tpu.memref_slice %arg4[%add3A_600, %dma_start3A_603] : memref<16384x1024xf32, #tpu.memory_space<hbm>> -> memref<16x1024xf32, #tpu.memory_space<hbm>>
    tpu.enqueue_dma source(%arg9 : memref<16x1024xf32, #tpu.memory_space<vmem>>) target(%dma_start3A_604 : memref<16x1024xf32, #tpu.memory_space<hbm>>) target_semaphore(%arg21 : memref<!tpu.dma_semaphore, #tpu.memory_space<semaphore_mem>>)
    %dma_wait3A_605 = arith.constant 448 : i32
    %dma_wait3A_606 = tpu.memref_slice %arg5[%dma_wait3A_605] : memref<512xi32, #tpu.memory_space<vmem>> -> memref<16xi32, #tpu.memory_space<vmem>>
    %dma_wait3A_607 = arith.constant 0 : i32
    %dma_wait3A_608 = arith.constant 0 : i32
    %dma_wait3A_609 = tpu.memref_slice %arg3[%dma_wait3A_607, %dma_wait3A_608] : memref<100000x1024xf32, #tpu.memory_space<hbm>> -> memref<100000x1024xf32, #tpu.memory_space<hbm>>
    tpu.wait_indirect_dma semaphore(%arg16 : memref<!tpu.dma_semaphore, #tpu.memory_space<semaphore_mem>>) src(%dma_wait3A_609 : memref<100000x1024xf32, #tpu.memory_space<hbm>>) dst(%arg10 : memref<16x1024xf32, #tpu.memory_space<vmem>>)
    %add3A_610 = arith.constant 448 : i32
    %add3A_611 = arith.addi %mul3A_2, %add3A_610 : i32
    %dma_start3A_612 = arith.constant 0 : i32
    %dma_start3A_613 = tpu.memref_slice %arg4[%add3A_611, %dma_start3A_612] : memref<16384x1024xf32, #tpu.memory_space<hbm>> -> memref<16x1024xf32, #tpu.memory_space<hbm>>
    %dma_start3A_614 = arith.constant 0 : i32
    %dma_start3A_615 = tpu.memref_slice %arg4[%add3A_611, %dma_start3A_614] : memref<16384x1024xf32, #tpu.memory_space<hbm>> -> memref<16x1024xf32, #tpu.memory_space<hbm>>
    tpu.enqueue_dma source(%arg10 : memref<16x1024xf32, #tpu.memory_space<vmem>>) target(%dma_start3A_615 : memref<16x1024xf32, #tpu.memory_space<hbm>>) target_semaphore(%arg22 : memref<!tpu.dma_semaphore, #tpu.memory_space<semaphore_mem>>)
    %dma_wait3A_616 = arith.constant 464 : i32
    %dma_wait3A_617 = tpu.memref_slice %arg5[%dma_wait3A_616] : memref<512xi32, #tpu.memory_space<vmem>> -> memref<16xi32, #tpu.memory_space<vmem>>
    %dma_wait3A_618 = arith.constant 0 : i32
    %dma_wait3A_619 = arith.constant 0 : i32
    %dma_wait3A_620 = tpu.memref_slice %arg3[%dma_wait3A_618, %dma_wait3A_619] : memref<100000x1024xf32, #tpu.memory_space<hbm>> -> memref<100000x1024xf32, #tpu.memory_space<hbm>>
    tpu.wait_indirect_dma semaphore(%arg17 : memref<!tpu.dma_semaphore, #tpu.memory_space<semaphore_mem>>) src(%dma_wait3A_620 : memref<100000x1024xf32, #tpu.memory_space<hbm>>) dst(%arg11 : memref<16x1024xf32, #tpu.memory_space<vmem>>)
    %add3A_621 = arith.constant 464 : i32
    %add3A_622 = arith.addi %mul3A_2, %add3A_621 : i32
    %dma_start3A_623 = arith.constant 0 : i32
    %dma_start3A_624 = tpu.memref_slice %arg4[%add3A_622, %dma_start3A_623] : memref<16384x1024xf32, #tpu.memory_space<hbm>> -> memref<16x1024xf32, #tpu.memory_space<hbm>>
    %dma_start3A_625 = arith.constant 0 : i32
    %dma_start3A_626 = tpu.memref_slice %arg4[%add3A_622, %dma_start3A_625] : memref<16384x1024xf32, #tpu.memory_space<hbm>> -> memref<16x1024xf32, #tpu.memory_space<hbm>>
    tpu.enqueue_dma source(%arg11 : memref<16x1024xf32, #tpu.memory_space<vmem>>) target(%dma_start3A_626 : memref<16x1024xf32, #tpu.memory_space<hbm>>) target_semaphore(%arg23 : memref<!tpu.dma_semaphore, #tpu.memory_space<semaphore_mem>>)
    %dma_wait3A_627 = arith.constant 480 : i32
    %dma_wait3A_628 = tpu.memref_slice %arg5[%dma_wait3A_627] : memref<512xi32, #tpu.memory_space<vmem>> -> memref<16xi32, #tpu.memory_space<vmem>>
    %dma_wait3A_629 = arith.constant 0 : i32
    %dma_wait3A_630 = arith.constant 0 : i32
    %dma_wait3A_631 = tpu.memref_slice %arg3[%dma_wait3A_629, %dma_wait3A_630] : memref<100000x1024xf32, #tpu.memory_space<hbm>> -> memref<100000x1024xf32, #tpu.memory_space<hbm>>
    tpu.wait_indirect_dma semaphore(%arg12 : memref<!tpu.dma_semaphore, #tpu.memory_space<semaphore_mem>>) src(%dma_wait3A_631 : memref<100000x1024xf32, #tpu.memory_space<hbm>>) dst(%arg6 : memref<16x1024xf32, #tpu.memory_space<vmem>>)
    %add3A_632 = arith.constant 480 : i32
    %add3A_633 = arith.addi %mul3A_2, %add3A_632 : i32
    %dma_start3A_634 = arith.constant 0 : i32
    %dma_start3A_635 = tpu.memref_slice %arg4[%add3A_633, %dma_start3A_634] : memref<16384x1024xf32, #tpu.memory_space<hbm>> -> memref<16x1024xf32, #tpu.memory_space<hbm>>
    %dma_start3A_636 = arith.constant 0 : i32
    %dma_start3A_637 = tpu.memref_slice %arg4[%add3A_633, %dma_start3A_636] : memref<16384x1024xf32, #tpu.memory_space<hbm>> -> memref<16x1024xf32, #tpu.memory_space<hbm>>
    tpu.enqueue_dma source(%arg6 : memref<16x1024xf32, #tpu.memory_space<vmem>>) target(%dma_start3A_637 : memref<16x1024xf32, #tpu.memory_space<hbm>>) target_semaphore(%arg18 : memref<!tpu.dma_semaphore, #tpu.memory_space<semaphore_mem>>)
    %dma_wait3A_638 = arith.constant 496 : i32
    %dma_wait3A_639 = tpu.memref_slice %arg5[%dma_wait3A_638] : memref<512xi32, #tpu.memory_space<vmem>> -> memref<16xi32, #tpu.memory_space<vmem>>
    %dma_wait3A_640 = arith.constant 0 : i32
    %dma_wait3A_641 = arith.constant 0 : i32
    %dma_wait3A_642 = tpu.memref_slice %arg3[%dma_wait3A_640, %dma_wait3A_641] : memref<100000x1024xf32, #tpu.memory_space<hbm>> -> memref<100000x1024xf32, #tpu.memory_space<hbm>>
    tpu.wait_indirect_dma semaphore(%arg13 : memref<!tpu.dma_semaphore, #tpu.memory_space<semaphore_mem>>) src(%dma_wait3A_642 : memref<100000x1024xf32, #tpu.memory_space<hbm>>) dst(%arg7 : memref<16x1024xf32, #tpu.memory_space<vmem>>)
    %add3A_643 = arith.constant 496 : i32
    %add3A_644 = arith.addi %mul3A_2, %add3A_643 : i32
    %dma_start3A_645 = arith.constant 0 : i32
    %dma_start3A_646 = tpu.memref_slice %arg4[%add3A_644, %dma_start3A_645] : memref<16384x1024xf32, #tpu.memory_space<hbm>> -> memref<16x1024xf32, #tpu.memory_space<hbm>>
    %dma_start3A_647 = arith.constant 0 : i32
    %dma_start3A_648 = tpu.memref_slice %arg4[%add3A_644, %dma_start3A_647] : memref<16384x1024xf32, #tpu.memory_space<hbm>> -> memref<16x1024xf32, #tpu.memory_space<hbm>>
    tpu.enqueue_dma source(%arg7 : memref<16x1024xf32, #tpu.memory_space<vmem>>) target(%dma_start3A_648 : memref<16x1024xf32, #tpu.memory_space<hbm>>) target_semaphore(%arg19 : memref<!tpu.dma_semaphore, #tpu.memory_space<semaphore_mem>>)
    %dma_wait3A_649 = arith.constant 0 : i32
    %dma_wait3A_650 = tpu.memref_slice %arg4[%add3A_589, %dma_wait3A_649] : memref<16384x1024xf32, #tpu.memory_space<hbm>> -> memref<16x1024xf32, #tpu.memory_space<hbm>>
    %dma_wait3A_651 = arith.constant 0 : i32
    %dma_wait3A_652 = tpu.memref_slice %arg4[%add3A_589, %dma_wait3A_651] : memref<16384x1024xf32, #tpu.memory_space<hbm>> -> memref<16x1024xf32, #tpu.memory_space<hbm>>
    tpu.wait_dma2 semaphore(%arg20 : memref<!tpu.dma_semaphore, #tpu.memory_space<semaphore_mem>>) src(%arg8 : memref<16x1024xf32, #tpu.memory_space<vmem>>) dst(%dma_wait3A_652 : memref<16x1024xf32, #tpu.memory_space<hbm>>)
    %dma_wait3A_653 = arith.constant 0 : i32
    %dma_wait3A_654 = tpu.memref_slice %arg4[%add3A_600, %dma_wait3A_653] : memref<16384x1024xf32, #tpu.memory_space<hbm>> -> memref<16x1024xf32, #tpu.memory_space<hbm>>
    %dma_wait3A_655 = arith.constant 0 : i32
    %dma_wait3A_656 = tpu.memref_slice %arg4[%add3A_600, %dma_wait3A_655] : memref<16384x1024xf32, #tpu.memory_space<hbm>> -> memref<16x1024xf32, #tpu.memory_space<hbm>>
    tpu.wait_dma2 semaphore(%arg21 : memref<!tpu.dma_semaphore, #tpu.memory_space<semaphore_mem>>) src(%arg9 : memref<16x1024xf32, #tpu.memory_space<vmem>>) dst(%dma_wait3A_656 : memref<16x1024xf32, #tpu.memory_space<hbm>>)
    %dma_wait3A_657 = arith.constant 0 : i32
    %dma_wait3A_658 = tpu.memref_slice %arg4[%add3A_611, %dma_wait3A_657] : memref<16384x1024xf32, #tpu.memory_space<hbm>> -> memref<16x1024xf32, #tpu.memory_space<hbm>>
    %dma_wait3A_659 = arith.constant 0 : i32
    %dma_wait3A_660 = tpu.memref_slice %arg4[%add3A_611, %dma_wait3A_659] : memref<16384x1024xf32, #tpu.memory_space<hbm>> -> memref<16x1024xf32, #tpu.memory_space<hbm>>
    tpu.wait_dma2 semaphore(%arg22 : memref<!tpu.dma_semaphore, #tpu.memory_space<semaphore_mem>>) src(%arg10 : memref<16x1024xf32, #tpu.memory_space<vmem>>) dst(%dma_wait3A_660 : memref<16x1024xf32, #tpu.memory_space<hbm>>)
    %dma_wait3A_661 = arith.constant 0 : i32
    %dma_wait3A_662 = tpu.memref_slice %arg4[%add3A_622, %dma_wait3A_661] : memref<16384x1024xf32, #tpu.memory_space<hbm>> -> memref<16x1024xf32, #tpu.memory_space<hbm>>
    %dma_wait3A_663 = arith.constant 0 : i32
    %dma_wait3A_664 = tpu.memref_slice %arg4[%add3A_622, %dma_wait3A_663] : memref<16384x1024xf32, #tpu.memory_space<hbm>> -> memref<16x1024xf32, #tpu.memory_space<hbm>>
    tpu.wait_dma2 semaphore(%arg23 : memref<!tpu.dma_semaphore, #tpu.memory_space<semaphore_mem>>) src(%arg11 : memref<16x1024xf32, #tpu.memory_space<vmem>>) dst(%dma_wait3A_664 : memref<16x1024xf32, #tpu.memory_space<hbm>>)
    %dma_wait3A_665 = arith.constant 0 : i32
    %dma_wait3A_666 = tpu.memref_slice %arg4[%add3A_633, %dma_wait3A_665] : memref<16384x1024xf32, #tpu.memory_space<hbm>> -> memref<16x1024xf32, #tpu.memory_space<hbm>>
    %dma_wait3A_667 = arith.constant 0 : i32
    %dma_wait3A_668 = tpu.memref_slice %arg4[%add3A_633, %dma_wait3A_667] : memref<16384x1024xf32, #tpu.memory_space<hbm>> -> memref<16x1024xf32, #tpu.memory_space<hbm>>
    tpu.wait_dma2 semaphore(%arg18 : memref<!tpu.dma_semaphore, #tpu.memory_space<semaphore_mem>>) src(%arg6 : memref<16x1024xf32, #tpu.memory_space<vmem>>) dst(%dma_wait3A_668 : memref<16x1024xf32, #tpu.memory_space<hbm>>)
    %dma_wait3A_669 = arith.constant 0 : i32
    %dma_wait3A_670 = tpu.memref_slice %arg4[%add3A_644, %dma_wait3A_669] : memref<16384x1024xf32, #tpu.memory_space<hbm>> -> memref<16x1024xf32, #tpu.memory_space<hbm>>
    %dma_wait3A_671 = arith.constant 0 : i32
    %dma_wait3A_672 = tpu.memref_slice %arg4[%add3A_644, %dma_wait3A_671] : memref<16384x1024xf32, #tpu.memory_space<hbm>> -> memref<16x1024xf32, #tpu.memory_space<hbm>>
    tpu.wait_dma2 semaphore(%arg19 : memref<!tpu.dma_semaphore, #tpu.memory_space<semaphore_mem>>) src(%arg7 : memref<16x1024xf32, #tpu.memory_space<vmem>>) dst(%dma_wait3A_672 : memref<16x1024xf32, #tpu.memory_space<hbm>>)
    return
  }
}

</mosaic_0001>

<sc_bundles>
// kernel: kernel.3.cloned.1.call-start
scs
__scs_entry_jumppad:
0x0: {  	(pc) =	sbr.rel $0x88, $3  }
0x1: {  	(tag) =	ssettag $0x0;
	lr =	simm.s32 $0x1  }
0x2: {  	[smem:$0x3F9F] =	sst lr;
	_ =	strace $0xD0000000  }
0x3: {  	_ = 	snop  }
0x4: {  	_ = 	snop  }
0x5: {  	_ = 	snop  }
0x6: {  	_ = 	snop  }
0x7: {  	_ = 	snop  }
__scs_overlays_trampoline_lowered:
0x8: {  	[smem:$0x3FAE] =	sst s0  }
0x9: {  	[smem:$0x3FAF] =	sst s1  }
0xa: {  	[smem:$0x3FB0] =	sst s2  }
0xb: {  	[smem:$0x3FB1] =	sst s3  }
0xc: {  	[smem:$0x3FB2] =	sst s4  }
0xd: {  	[smem:$0x3FB3] =	sst s5  }
0xe: {  	[smem:$0x3FB4] =	sst s6  }
0xf: {  	[smem:$0x3FB5] =	sst s7  }
0x10: {  	[smem:$0x3FB6] =	sst s8  }
0x11: {  	[smem:$0x3FB7] =	sst s9;
	s0 =	simm.s32 @!p0 $0x0  }
0x12: {  	s1 =	sld [smem:$0x3F9D];
	s0 =	simm.s32 @p0 $0x1  }
0x13: {  	[smem:$0x3FB8] =	sst s0;
	s0 =	simm.s32 @!p1 $0x0  }
0x14: {  	s2 =	sld [smem:$0x3F9C];
	s0 =	simm.s32 @p1 $0x1  }
0x15: {  	[smem:$0x3FB9] =	sst s0;
	s0 =	simm.s32 @!p2 $0x0  }
0x16: {  	s3 =	sld [smem:$0x3FDB];
	s0 =	simm.s32 @p2 $0x1  }
0x17: {  	s4 =	simm.s32 $0x1BF5;
	[smem:$0x3FBB] =	sst s0  }
0x18: {  	s0 =	sld [smem:$0x3F9E];
	_ =	swait.ge [sflag:s4], $0x0  }
0x19: {  	s7 =	sld [smem:$0x3F9F]  }
0x1a: {  	s8 =	sadd.s32 $0xFFFFE003, lr  }
0x1b: {  	s9 =	sadd.s32 $0xFFFFFEF7, lr;
	s5 =	simm.s32 $0xFFFFFFFF;
	p2 =	slt.u32 s8, $0xFFFFF086  }
0x1c: {  	p1 =	slt.u32 s9, $0xF7A;
	s5 =	simm.s32 @!p2 $0x0  }
0x1d: {  	s5 =	simm.s32 @p1 $0x1;
	p0 =	seq.s32 s7, s2  }
0x1e: {  	s7 =	smul.u32 @!p0 $0xF7A, s2;
	p2 =	seq.s32 @!p0 s5, $0x0  }
0x1f: {  	s9 =	smul.u32 $0xF7A, s1;
	s8 =	simm.s32 @!p0 $0x1BF5;
	p2 =	por !p2, p0  }
0x20: {  	[sflag:s8] =	ssyncset.s32 @!p0 $0xFFFFF086;
	s6 =	sadd.s32 @!p0 s3, s7;
	s7 =	simm.s32 @!p0 $0x108  }
0x21: {  	s3 =	sadd.s32 s3, s9;
	s6 =	sadd.s32 @!p0 $0x88, s6;
	s7 =	simm.s32 @p2 $0x1082  }
0x22: {  	[simem:s7], [sflag:s8] =	dma.local @!p0 [hbm:s6], $0xF7A  }
0x23: {  	s9 =	sor.u32 $0xD0000000, s2;
	s6 =	simm.s32 $0x108;
	_ =	swait.ge @!p0 [sflag:s8], $0x0  }
0x24: {  	s3 =	sadd.s32 $0x88, s3;
	s6 =	simm.s32 @!p1 $0x1082;
	[sflag:s4] =	ssyncset.s32 $0xFFFFF086  }
0x25: {  	[simem:s6], [sflag:s4] =	dma.local [hbm:s3], $0xF7A  }
0x26: {  	[smem:$0x3F9F] =	sst s1;
	(tag) =	ssettag s2;
	_ =	strace s9  }
0x27: {  	s1 =	sld [smem:$0x3FAF]  }
0x28: {  	s2 =	sld [smem:$0x3FB0]  }
0x29: {  	s4 =	sld [smem:$0x3FB2]  }
0x2a: {  	p0 =	seq.s32 s5, $0x0;
	s5 =	sld [smem:$0x3FB3]  }
0x2b: {  	s6 =	sld [smem:$0x3FB4]  }
0x2c: {  	s7 =	sld [smem:$0x3FB5]  }
0x2d: {  	s3 =	simm.s32 $0x108;
	s8 =	sld [smem:$0x3FB6]  }
0x2e: {  	s3 =	simm.s32 @!p0 $0x1082;
	s9 =	sld [smem:$0x3FB7]  }
0x2f: {  	lr =	sadd.s32 s0, s3;
	s0 =	sld [smem:$0x3FAE]  }
0x30: {  	s3 =	sld [smem:$0x3FB1]  }
0x31: {  	[smem:$0x3FBA] =	sst s10  }
0x32: {  	s10 =	sld [smem:$0x3FB8];
	_ =	sdelay $0x3  }
0x33: {  	p0 =	seq.s32 s10, $0x1;
	s10 =	sld [smem:$0x3FBA];
	_ =	sdelay $0x3  }
0x34: {  	[smem:$0x3FBA] =	sst s10  }
0x35: {  	s10 =	sld [smem:$0x3FB9];
	_ =	sdelay $0x3  }
0x36: {  	p1 =	seq.s32 s10, $0x1;
	s10 =	sld [smem:$0x3FBA];
	_ =	sdelay $0x3  }
0x37: {  	[smem:$0x3FBA] =	sst s10  }
0x38: {  	s10 =	sld [smem:$0x3FBB]  }
0x39: {  	_ = 	snop;
	(pc) =	sbr.ind lr, $3  }
0x3a: {  	_ = 	snop  }
0x3b: {  	_ = 	snop  }
0x3c: {  	p2 =	seq.s32 s10, $0x1;
	s10 =	sld [smem:$0x3FBA]  }
0x3d: {  	_ =	shalt  }
0x3e: {  	_ =	shalt  }
0x3f: {  	_ =	shalt  }
0x40: {  	_ =	shalt  }
0x41: {  	_ =	shalt  }
0x42: {  	_ =	shalt  }
0x43: {  	_ =	shalt  }
0x44: {  	_ =	shalt  }
0x45: {  	_ =	shalt  }
0x46: {  	_ =	shalt  }
0x47: {  	_ =	shalt  }
0x48: {  	_ =	shalt  }
0x49: {  	_ =	shalt  }
0x4a: {  	_ =	shalt  }
0x4b: {  	_ =	shalt  }
0x4c: {  	_ =	shalt  }
0x4d: {  	_ =	shalt  }
0x4e: {  	_ =	shalt  }
0x4f: {  	_ =	shalt  }
0x50: {  	_ =	shalt  }
0x51: {  	_ =	shalt  }
0x52: {  	_ =	shalt  }
0x53: {  	_ =	shalt  }
0x54: {  	_ =	shalt  }
0x55: {  	_ =	shalt  }
0x56: {  	_ =	shalt  }
0x57: {  	_ =	shalt  }
0x58: {  	_ =	shalt  }
0x59: {  	_ =	shalt  }
0x5a: {  	_ =	shalt  }
0x5b: {  	_ =	shalt  }
0x5c: {  	_ =	shalt  }
0x5d: {  	_ =	shalt  }
0x5e: {  	_ =	shalt  }
0x5f: {  	_ =	shalt  }
0x60: {  	_ =	shalt  }
0x61: {  	_ =	shalt  }
0x62: {  	_ =	shalt  }
0x63: {  	_ =	shalt  }
0x64: {  	_ =	shalt  }
0x65: {  	_ =	shalt  }
0x66: {  	_ =	shalt  }
0x67: {  	_ =	shalt  }
0x68: {  	_ =	shalt  }
0x69: {  	_ =	shalt  }
0x6a: {  	_ =	shalt  }
0x6b: {  	_ =	shalt  }
0x6c: {  	_ =	shalt  }
0x6d: {  	_ =	shalt  }
0x6e: {  	_ =	shalt  }
0x6f: {  	_ =	shalt  }
0x70: {  	_ =	shalt  }
0x71: {  	_ =	shalt  }
0x72: {  	_ =	shalt  }
0x73: {  	_ =	shalt  }
0x74: {  	_ =	shalt  }
0x75: {  	_ =	shalt  }
0x76: {  	_ =	shalt  }
0x77: {  	_ =	shalt  }
0x78: {  	_ =	shalt  }
0x79: {  	_ =	shalt  }
0x7a: {  	_ =	shalt  }
0x7b: {  	_ =	shalt  }
0x7c: {  	_ =	shalt  }
0x7d: {  	_ =	shalt  }
0x7e: {  	_ =	shalt  }
0x7f: {  	_ =	shalt  }
0x80: {  	_ =	shalt  }
0x81: {  	_ =	shalt  }
0x82: {  	_ =	shalt  }
0x83: {  	_ =	shalt  }
0x84: {  	_ =	shalt  }
0x85: {  	_ =	shalt  }
0x86: {  	_ =	shalt  }
0x87: {  	_ =	shalt  }
.Lfunc_end0:
.L_simem_size_0:
called_computation_lowered:
.L_overlay_start_0:
0x88: {  	s2 =	sld [smem:$0x3FD9]  }
0x89: {  	s3 =	sld [smem:$0x3FFE];
	_ =	sdelay $0x1  }
0x8a: {  	s1 =	srdreg.scid  }
0x8b: {  	s0 =	sand.u32 $0x1, s1  }
0x8c: {  	s18 =	sshll.u32 s0, $0xA;
	s2 =	sadd.s32 s3, s2  }
0x8d: {  	s2 =	sadd.s32 s2, s18  }
0x8e: {  	[smem:$0x3FC6] =	sst s2  }
0x8f: {  	_ = 	snop  }
0x90: {  	s2 =	sld [smem:$0x3FC9]  }
0x91: {  	s19 =	sld [smem:$0x3FC8]  }
0x92: {  	s4 =	sld [smem:$0x3FD0];
	(tm) =	ssettm $0x1  }
0x93: {  	s5 =	sld [smem:$0x3FFB];
	_ =	sdelay $0x3  }
0x94: {  	_ =	strace s5  }
0x95: {  	s5 =	sld [smem:$0x3FFC];
	_ =	sdelay $0x3  }
0x96: {  	_ =	strace s5  }
0x97: {  	s5 =	sld [smem:$0x3FFD];
	_ =	sdelay $0x3  }
0x98: {  	_ =	strace s5  }
0x99: {  	_ =	strace $0x8FFFFFFF  }
0x9a: {  	s20 =	sld [smem:$0x3FDB];
	_ =	sdelay $0x1  }
0x9b: {  	s6 =	simm.s32 $_scs_section_size  }
0x9c: {  	s7 =	simm.s32 $_size__tile_overlayer_lowered;
	s8 =	simm.s32 $_tile_overlayer_lowered  }
0x9d: {  	s23 =	simm.s32 $0x1BFF;
	s22 =	sshll.u32 s8, $0x1;
	s5 =	sadd.s32 s6, s20  }
0x9e: {  	s9 =	simm.s32 $0x0;
	s21 =	sshll.u32 s7, $0x1;
	s7 =	sadd.s32 s22, s5  }
0x9f: {  	[timem:s9], [sflag:s23] =	dma.local [hbm:s7], s21  }
0xa0: {  	_ =	swait.ge [sflag:s23], s21  }
0xa1: {  	s6 =	ssub.s32 $0x0, s21;
	[sflag:s23] =	ssyncset.done $0x0  }
0xa2: {  	[sflag:s23] =	ssyncadd.s32 s6;
	_ =	sdelay $0x1  }
0xa3: {  	s24 =	simm.s32 $0x1B8B  }
0xa4: {  	_ =	swait.ge [sflag:s24], $0x1  }
0xa5: {  	[sflag:s24] =	ssyncset.done $0x0  }
0xa6: {  	s25 =	simm.s32 $0x1B8E;
	[sflag:s24] =	ssyncadd.s32 $0xFFFFFFFF  }
0xa7: {  	s26 =	simm.s32 $execute0_lowered;
	[smem:$0x3FD2] =	sst s25  }
0xa8: {  	s6 =	sshll.u32 s26, $0x1;
	_ =	strace $0x80000046;
	[dreg:$0x1] =	wrdreg $0xFFFFFFFF  }
0xa9: {  	s28 =	simm.s32 $_size_execute0_lowered;
	s5 =	sadd.s32 s5, s6;
	[dreg:$0x0] =	wrdreg $0x0  }
0xaa: {  	s6 =	sshll.u32 s28, $0x1;
	[dreg:$0x2] =	wrdreg s5  }
0xab: {  	[dreg:$0x3] =	wrdreg s6  }
0xac: {  	[dreg:$0x4] =	wrdreg $0xC0  }
0xad: {  	_ =	task [dreg:s9], $0x5FFFF  }
0xae: {  	[dreg:$0x1] =	wrdreg $0xFFFFFFFF  }
0xaf: {  	[dreg:$0x0] =	wrdreg $0x60  }
0xb0: {  	[dreg:$0x2] =	wrdreg s2  }
0xb1: {  	[dreg:$0x3] =	wrdreg s19  }
0xb2: {  	[dreg:$0x4] =	wrdreg s4  }
0xb3: {  	[dreg:$0x5] =	wrdreg $0x9  }
0xb4: {  	_ =	task.clear_ibuf [dreg:s9], $0x6FFFF;
	_ =	strace $0x90000046  }
0xb5: {  	s29 =	simm.s32 $0x9;
	_ =	strace $0x80000048  }
0xb6: {  	_ =	swait.ge [sflag:s29], $0x1  }
0xb7: {  	[sflag:s29] =	ssyncadd.s32 $0xFFFFFFFF  }
0xb8: {  	_ =	strace $0x90000048  }
0xb9: {  	_ =	sfence  }
0xba: {  	s30 =	sld [smem:$0x0];
	_ =	sdelay $0x2  }
0xbb: {  	s31 =	sshll.u32 s1, $0xD;
	s1 =	sshrl.u32 s1, $0x2  }
0xbc: {  	s3 =	sand.u32 $0x4000, s31;
	s1 =	sadd.s32 s1, s30  }
0xbd: {  	s0 =	sor.u32 s3, s0;
	s1 =	sshll.u32 s1, $0x11  }
0xbe: {  	s0 =	sor.u32 s1, s0  }
0xbf: {  	s0 =	sadd.s32 $0x8F2B, s0  }
0xc0: {  	[sflag:s0] =	ssyncadd.remote.s32 $0x1  }
0xc1: {  	_ =	sfence.sel $0xFFFF  }
0xc2: {  	[dreg:$0x0] =	wrdreg $0xFFFFFFFF;
	(pc) =	sbr.abs _section_cstart, $3  }
0xc3: {  	[dreg:$0x1] =	wrdreg $0xFFFFFFFF  }
0xc4: {  	_ =	task.clear_ibuf [dreg:s9], $0x2FFFF;
	_ =	strace $0x9FFFFFFF  }
0xc5: {  	(tm) =	ssettm $0x7FFFFFFF  }
tec
execute0_lowered:
.L_overlay_start_1:
0x0: {  	(tag) =	ssettag $0x1  }
0x1: {  	s0 =	srdreg.scid;
	s6 =	stileid.u32  }
0x2: {  	s1 =	rddreg [dreg:$0x0];
	s0 =	sand.u32 $0x1, s0;
	s5 =	sshll.u32 s6, $0x1  }
0x3: {  	s2 =	rddreg [dreg:$0x1];
	s6 =	sshll.u32 s6, $0x2;
	s5 =	sor.u32 s0, s5  }
0x4: {  	s4 =	rddreg [dreg:$0x2];
	s6 =	sand.u32 $0x30, s6;
	s7 =	sshll.u32 s5, $0x8  }
0x5: {  	s3 =	simm.s32 $0x0;
	s1 =	sadd.s32 s1, s6;
	s7 =	sand.u32 $0x700, s7  }
0x6: {  	[smem:$0x7FF] =	sst s3;
	s5 =	sshll.u32 s5, $0x10;
	s1 =	sadd.s32 s7, s1  }
0x7: {  	_ =	strace $0x80000047;
	s7 =	sadd.s32 s4, s5;
	[dreg:$0x4] =	wrdreg s1  }
0x8: {  	s20 =	sadd.s32 $0x800, s7;
	[smem:$0x7FB] =	sst s7  }
0x9: {  	s21 =	sadd.s32 $0x1000, s7;
	[dreg:$0x5] =	wrdreg s20  }
0xa: {  	s22 =	sadd.s32 $0x1800, s7;
	[dreg:$0x6] =	wrdreg s21  }
0xb: {  	s23 =	sadd.s32 $0x2000, s7;
	[dreg:$0x7] =	wrdreg s22  }
0xc: {  	s24 =	sadd.s32 $0x2800, s7;
	[dreg:$0x8] =	wrdreg s23  }
0xd: {  	s25 =	sadd.s32 $0x3000, s7;
	[dreg:$0x9] =	wrdreg s24  }
0xe: {  	s26 =	sadd.s32 $0x3800, s7;
	[dreg:$0xa] =	wrdreg s25  }
0xf: {  	s28 =	sadd.s32 $0x4000, s7;
	[dreg:$0xb] =	wrdreg s26  }
0x10: {  	s30 =	sadd.s32 $0x4800, s7;
	[dreg:$0xc] =	wrdreg s28  }
0x11: {  	s4 =	sadd.s32 $0x5000, s7;
	[dreg:$0xd] =	wrdreg s30  }
0x12: {  	s5 =	sadd.s32 $0x5800, s7;
	[dreg:$0xe] =	wrdreg s4  }
0x13: {  	s6 =	sadd.s32 $0x6000, s7;
	[dreg:$0xf] =	wrdreg s5  }
0x14: {  	s8 =	sadd.s32 $0x6800, s7;
	[dreg:$0x10] =	wrdreg s6  }
0x15: {  	s9 =	sadd.s32 $0x7000, s7;
	[dreg:$0x11] =	wrdreg s8  }
0x16: {  	s10 =	sadd.s32 $0x7800, s7;
	[dreg:$0x12] =	wrdreg s9  }
0x17: {  	s11 =	sadd.s32 $0x8000, s7;
	[dreg:$0x13] =	wrdreg s10  }
0x18: {  	s12 =	sadd.s32 $0x8800, s7;
	[dreg:$0x14] =	wrdreg s11  }
0x19: {  	s13 =	sadd.s32 $0x9000, s7;
	[dreg:$0x15] =	wrdreg s12  }
0x1a: {  	s14 =	sadd.s32 $0x9800, s7;
	[dreg:$0x16] =	wrdreg s13  }
0x1b: {  	s15 =	sadd.s32 $0xA000, s7;
	[dreg:$0x17] =	wrdreg s14  }
0x1c: {  	s29 =	simm.s32 $0x2;
	s16 =	sadd.s32 $0xA800, s7;
	[dreg:$0x18] =	wrdreg s15  }
0x1d: {  	s31 =	simm.s32 $0x8;
	s17 =	sadd.s32 $0xB000, s7;
	[dreg:$0x19] =	wrdreg s16  }
0x1e: {  	s0 =	ssub.s32 $0x2, s0;
	s18 =	sadd.s32 $0xB800, s7;
	[dreg:$0x1a] =	wrdreg s17  }
0x1f: {  	s19 =	sadd.s32 $0xC000, s7;
	s1 =	simm.s32 $0x1;
	[dreg:$0x1b] =	wrdreg s18  }
0x20: {  	[dreg:$0x1c] =	wrdreg s19;
	s20 =	sadd.s32 $0xC800, s7;
	s21 =	sadd.s32 $0xD000, s7  }
0x21: {  	s22 =	sadd.s32 $0xD800, s7;
	s23 =	sshrl.u32 s0, $0x1;
	s24 =	sadd.s32 $0xE000, s7  }
0x22: {  	s25 =	sadd.s32 $0xE800, s7;
	s5 =	sadd.s32 $0x100, s2;
	s26 =	sadd.s32 $0xF000, s7  }
0x23: {  	s6 =	sadd.s32 $0x200, s2;
	s28 =	sadd.s32 $0xF800, s7;
	[dreg:$0x1d] =	wrdreg s20  }
0x24: {  	s7 =	sadd.s32 $0x300, s2;
	s30 =	simm.s32 $0x80;
	[dreg:$0x1e] =	wrdreg s21  }
0x25: {  	s10 =	simm.s32 $0x7;
	s11 =	simm.s32 $0x9;
	[dreg:$0x1f] =	wrdreg s22  }
0x26: {  	s12 =	simm.s32 $0x4;
	s13 =	simm.s32 $0xA;
	[smem:$0x7F8] =	sst s24  }
0x27: {  	s14 =	simm.s32 $0x5;
	s15 =	simm.s32 $0xB;
	[smem:$0x7F9] =	sst s25  }
0x28: {  	v2 =	vlaneseq.u32;
	s16 =	simm.s32 $0x6;
	s17 =	simm.s32 $0xC;
	[smem:$0x7FA] =	sst s26  }
0x29: {  	vm0 =	vmmov $0xffff;
	v1 =	vshrl.u32 v2, $0x3;
	s8 =	simm.s32 $0x200;
	s0 =	ssub.s32 s0, s23;
	[smem:$0x7FC] =	sst s28  }
0x2a: {  	v0 =	vand.u32 $0x7, v2;
	v2 =	vor.u32 $0x8, v2;
	v1 =	vmul.u32 $0x8, v1;
	[smem:$0x7FD] =	sst s30;
	s21 =	simm.s32 $0x3;
	s4 =	smax.u32 s0, $0x1  }
.LBB2_1:
0x2b: {  	s20 =	sld [smem:$0x7FD]  }
0x2c: {  	[smem:$0x7F7] =	sst s4  }
0x2d: {  	s19 =	rddreg [dreg:$0x4];
	s18 =	simm.s32 $0xD  }
0x2e: {  	[tilespmem:s3], [sflag:$0xD] =	stream.strided.gather [hbm4b:s19+s20], $0x200, s8, s20, $0x38;
	[tilespmem:$0x18200] =	vst v63  }
0x2f: {  	_ =	swait.ge [sflag:s18], $0x200  }
0x30: {  	[sflag:s18] =	ssyncset.done $0x0  }
0x31: {  	[sflag:s18] =	ssyncadd.s32 $0xFFFFFE00  }
0x32: {  	v3 =	vld [tilespmem:$0x0];
	_ =	sdelay $0x4  }
0x33: {  	v4 =	vshll.u32 v3, $0x3  }
0x34: {  	v3 =	vand.u32 $0x7, v3;
	v4 =	vand.u32 $0xFFFFFFC0, v4  }
0x35: {  	v3 =	vor.u32 v3, v4  }
0x36: {  	v4 =	vperm.xlane v3, v0;
	_ =	sdelay $0x1  }
0x37: {  	v4 =	vadd.s32 v1, v4;
	_ =	sdelay $0x4  }
0x38: {  	[tilespmem:s8], [sflag:$0x1] =	stream.indirect_vreg.gather [hbm4b:s2+s3], $0x80, v4, vm0, $0xb8;
	[tilespmem:$0x18200] =	vst v63  }
0x39: {  	s19 =	simm.s32 $0xA00;
	v3 =	vperm.xlane v3, v2  }
0x3a: {  	[tilespmem:s19], [sflag:$0x1] =	stream.indirect_vreg.gather [hbm4b:s5+s3], $0x80, v4, vm0, $0xb8;
	[tilespmem:$0x18200] =	vst v63  }
0x3b: {  	s20 =	simm.s32 $0x1200;
	v3 =	vadd.s32 v1, v3  }
0x3c: {  	[tilespmem:s20], [sflag:$0x1] =	stream.indirect_vreg.gather [hbm4b:s6+s3], $0x80, v4, vm0, $0xb8;
	[tilespmem:$0x18200] =	vst v63  }
0x3d: {  	s22 =	simm.s32 $0x1A00  }
0x3e: {  	[tilespmem:s22], [sflag:$0x1] =	stream.indirect_vreg.gather [hbm4b:s7+s3], $0x80, v4, vm0, $0xb8;
	[tilespmem:$0x18200] =	vst v63  }
0x3f: {  	s23 =	simm.s32 $0x2200  }
0x40: {  	[tilespmem:s23], [sflag:$0x1] =	stream.indirect_vreg.gather [hbm4b:s2+s3], $0x80, v3, vm0, $0xb8;
	[tilespmem:$0x18200] =	vst v63  }
0x41: {  	s24 =	simm.s32 $0x2A00  }
0x42: {  	[tilespmem:s24], [sflag:$0x1] =	stream.indirect_vreg.gather [hbm4b:s5+s3], $0x80, v3, vm0, $0xb8;
	[tilespmem:$0x18200] =	vst v63  }
0x43: {  	s28 =	simm.s32 $0x3200  }
0x44: {  	[tilespmem:s28], [sflag:$0x1] =	stream.indirect_vreg.gather [hbm4b:s6+s3], $0x80, v3, vm0, $0xb8;
	[tilespmem:$0x18200] =	vst v63  }
0x45: {  	s30 =	simm.s32 $0x3A00  }
0x46: {  	[tilespmem:s30], [sflag:$0x1] =	stream.indirect_vreg.gather [hbm4b:s7+s3], $0x80, v3, vm0, $0xb8;
	[tilespmem:$0x18200] =	vst v63  }
0x47: {  	v3 =	vld [tilespmem:$0x10];
	_ =	sdelay $0x4  }
0x48: {  	v33 =	vshll.u32 v3, $0x3  }
0x49: {  	v3 =	vand.u32 $0x7, v3;
	v4 =	vand.u32 $0xFFFFFFC0, v33  }
0x4a: {  	v3 =	vor.u32 v3, v4  }
0x4b: {  	v4 =	vperm.xlane v3, v0;
	_ =	sdelay $0x1  }
0x4c: {  	v4 =	vadd.s32 v1, v4;
	_ =	sdelay $0x3  }
0x4d: {  	s9 =	simm.s32 $0x4200  }
0x4e: {  	[tilespmem:s9], [sflag:$0x2] =	stream.indirect_vreg.gather [hbm4b:s2+s3], $0x80, v4, vm0, $0xb8;
	[tilespmem:$0x18200] =	vst v63  }
0x4f: {  	s18 =	simm.s32 $0x4A00;
	v3 =	vperm.xlane v3, v2  }
0x50: {  	[tilespmem:s18], [sflag:$0x2] =	stream.indirect_vreg.gather [hbm4b:s5+s3], $0x80, v4, vm0, $0xb8;
	[tilespmem:$0x18200] =	vst v63  }
0x51: {  	s20 =	simm.s32 $0x5200;
	v3 =	vadd.s32 v1, v3  }
0x52: {  	[tilespmem:s20], [sflag:$0x2] =	stream.indirect_vreg.gather [hbm4b:s6+s3], $0x80, v4, vm0, $0xb8;
	[tilespmem:$0x18200] =	vst v63  }
0x53: {  	s28 =	simm.s32 $0x5A00  }
0x54: {  	[tilespmem:s28], [sflag:$0x2] =	stream.indirect_vreg.gather [hbm4b:s7+s3], $0x80, v4, vm0, $0xb8;
	[tilespmem:$0x18200] =	vst v63  }
0x55: {  	s30 =	simm.s32 $0x6200  }
0x56: {  	[tilespmem:s30], [sflag:$0x2] =	stream.indirect_vreg.gather [hbm4b:s2+s3], $0x80, v3, vm0, $0xb8;
	[tilespmem:$0x18200] =	vst v63  }
0x57: {  	s4 =	simm.s32 $0x6A00  }
0x58: {  	[tilespmem:s4], [sflag:$0x2] =	stream.indirect_vreg.gather [hbm4b:s5+s3], $0x80, v3, vm0, $0xb8;
	[tilespmem:$0x18200] =	vst v63  }
0x59: {  	s9 =	simm.s32 $0x7200  }
0x5a: {  	[tilespmem:s9], [sflag:$0x2] =	stream.indirect_vreg.gather [hbm4b:s6+s3], $0x80, v3, vm0, $0xb8;
	[tilespmem:$0x18200] =	vst v63  }
0x5b: {  	s18 =	simm.s32 $0x7A00  }
0x5c: {  	[tilespmem:s18], [sflag:$0x2] =	stream.indirect_vreg.gather [hbm4b:s7+s3], $0x80, v3, vm0, $0xb8;
	[tilespmem:$0x18200] =	vst v63  }
0x5d: {  	v3 =	vld [tilespmem:$0x20];
	_ =	sdelay $0x4  }
0x5e: {  	v34 =	vshll.u32 v3, $0x3  }
0x5f: {  	v3 =	vand.u32 $0x7, v3;
	v4 =	vand.u32 $0xFFFFFFC0, v34  }
0x60: {  	v3 =	vor.u32 v3, v4  }
0x61: {  	v4 =	vperm.xlane v3, v0;
	_ =	sdelay $0x1  }
0x62: {  	v4 =	vadd.s32 v1, v4;
	_ =	sdelay $0x3  }
0x63: {  	s19 =	simm.s32 $0x8200  }
0x64: {  	[tilespmem:s19], [sflag:$0x3] =	stream.indirect_vreg.gather [hbm4b:s2+s3], $0x80, v4, vm0, $0xb8;
	[tilespmem:$0x18200] =	vst v63  }
0x65: {  	s20 =	simm.s32 $0x8A00;
	v3 =	vperm.xlane v3, v2  }
0x66: {  	[tilespmem:s20], [sflag:$0x3] =	stream.indirect_vreg.gather [hbm4b:s5+s3], $0x80, v4, vm0, $0xb8;
	[tilespmem:$0x18200] =	vst v63  }
0x67: {  	s28 =	simm.s32 $0x9200;
	v3 =	vadd.s32 v1, v3  }
0x68: {  	[tilespmem:s28], [sflag:$0x3] =	stream.indirect_vreg.gather [hbm4b:s6+s3], $0x80, v4, vm0, $0xb8;
	[tilespmem:$0x18200] =	vst v63  }
0x69: {  	s30 =	simm.s32 $0x9A00  }
0x6a: {  	[tilespmem:s30], [sflag:$0x3] =	stream.indirect_vreg.gather [hbm4b:s7+s3], $0x80, v4, vm0, $0xb8;
	[tilespmem:$0x18200] =	vst v63  }
0x6b: {  	s18 =	simm.s32 $0xA200  }
0x6c: {  	[tilespmem:s18], [sflag:$0x3] =	stream.indirect_vreg.gather [hbm4b:s2+s3], $0x80, v3, vm0, $0xb8;
	[tilespmem:$0x18200] =	vst v63  }
0x6d: {  	s19 =	simm.s32 $0xAA00  }
0x6e: {  	[tilespmem:s19], [sflag:$0x3] =	stream.indirect_vreg.gather [hbm4b:s5+s3], $0x80, v3, vm0, $0xb8;
	[tilespmem:$0x18200] =	vst v63  }
0x6f: {  	s18 =	simm.s32 $0xB200  }
0x70: {  	[tilespmem:s18], [sflag:$0x3] =	stream.indirect_vreg.gather [hbm4b:s6+s3], $0x80, v3, vm0, $0xb8;
	[tilespmem:$0x18200] =	vst v63  }
0x71: {  	s19 =	simm.s32 $0xBA00  }
0x72: {  	[tilespmem:s19], [sflag:$0x3] =	stream.indirect_vreg.gather [hbm4b:s7+s3], $0x80, v3, vm0, $0xb8;
	[tilespmem:$0x18200] =	vst v63  }
0x73: {  	v3 =	vld [tilespmem:$0x30];
	_ =	sdelay $0x4  }
0x74: {  	v35 =	vshll.u32 v3, $0x3  }
0x75: {  	v3 =	vand.u32 $0x7, v3;
	v4 =	vand.u32 $0xFFFFFFC0, v35  }
0x76: {  	v3 =	vor.u32 v3, v4  }
0x77: {  	v4 =	vperm.xlane v3, v0;
	_ =	sdelay $0x1  }
0x78: {  	v4 =	vadd.s32 v1, v4;
	_ =	sdelay $0x3  }
0x79: {  	s18 =	simm.s32 $0xC200  }
0x7a: {  	[tilespmem:s18], [sflag:$0x4] =	stream.indirect_vreg.gather [hbm4b:s2+s3], $0x80, v4, vm0, $0xb8;
	[tilespmem:$0x18200] =	vst v63  }
0x7b: {  	s19 =	simm.s32 $0xCA00;
	v3 =	vperm.xlane v3, v2  }
0x7c: {  	[tilespmem:s19], [sflag:$0x4] =	stream.indirect_vreg.gather [hbm4b:s5+s3], $0x80, v4, vm0, $0xb8;
	[tilespmem:$0x18200] =	vst v63  }
0x7d: {  	v3 =	vadd.s32 v1, v3;
	s18 =	simm.s32 $0xD200  }
0x7e: {  	[tilespmem:s18], [sflag:$0x4] =	stream.indirect_vreg.gather [hbm4b:s6+s3], $0x80, v4, vm0, $0xb8;
	[tilespmem:$0x18200] =	vst v63  }
0x7f: {  	s19 =	simm.s32 $0xDA00  }
0x80: {  	[tilespmem:s19], [sflag:$0x4] =	stream.indirect_vreg.gather [hbm4b:s7+s3], $0x80, v4, vm0, $0xb8;
	[tilespmem:$0x18200] =	vst v63  }
0x81: {  	s18 =	simm.s32 $0xE200  }
0x82: {  	[tilespmem:s18], [sflag:$0x4] =	stream.indirect_vreg.gather [hbm4b:s2+s3], $0x80, v3, vm0, $0xb8;
	[tilespmem:$0x18200] =	vst v63  }
0x83: {  	s19 =	simm.s32 $0xEA00  }
0x84: {  	[tilespmem:s19], [sflag:$0x4] =	stream.indirect_vreg.gather [hbm4b:s5+s3], $0x80, v3, vm0, $0xb8;
	[tilespmem:$0x18200] =	vst v63  }
0x85: {  	s18 =	simm.s32 $0xF200  }
0x86: {  	[tilespmem:s18], [sflag:$0x4] =	stream.indirect_vreg.gather [hbm4b:s6+s3], $0x80, v3, vm0, $0xb8;
	[tilespmem:$0x18200] =	vst v63  }
0x87: {  	s19 =	simm.s32 $0xFA00  }
0x88: {  	[tilespmem:s19], [sflag:$0x4] =	stream.indirect_vreg.gather [hbm4b:s7+s3], $0x80, v3, vm0, $0xb8;
	[tilespmem:$0x18200] =	vst v63  }
0x89: {  	v3 =	vld [tilespmem:$0x40];
	_ =	sdelay $0x4  }
0x8a: {  	v36 =	vshll.u32 v3, $0x3  }
0x8b: {  	v3 =	vand.u32 $0x7, v3;
	v4 =	vand.u32 $0xFFFFFFC0, v36  }
0x8c: {  	v3 =	vor.u32 v3, v4  }
0x8d: {  	v4 =	vperm.xlane v3, v0;
	_ =	sdelay $0x1  }
0x8e: {  	v4 =	vadd.s32 v1, v4;
	_ =	sdelay $0x3  }
0x8f: {  	s18 =	simm.s32 $0x10200  }
0x90: {  	[tilespmem:s18], [sflag:$0x5] =	stream.indirect_vreg.gather [hbm4b:s2+s3], $0x80, v4, vm0, $0xb8;
	[tilespmem:$0x18200] =	vst v63  }
0x91: {  	v3 =	vperm.xlane v3, v2;
	s18 =	simm.s32 $0x10A00  }
0x92: {  	[tilespmem:s18], [sflag:$0x5] =	stream.indirect_vreg.gather [hbm4b:s5+s3], $0x80, v4, vm0, $0xb8;
	[tilespmem:$0x18200] =	vst v63  }
0x93: {  	s19 =	simm.s32 $0x11200;
	v3 =	vadd.s32 v1, v3  }
0x94: {  	[tilespmem:s19], [sflag:$0x5] =	stream.indirect_vreg.gather [hbm4b:s6+s3], $0x80, v4, vm0, $0xb8;
	[tilespmem:$0x18200] =	vst v63  }
0x95: {  	s4 =	simm.s32 $0x11A00  }
0x96: {  	[tilespmem:s4], [sflag:$0x5] =	stream.indirect_vreg.gather [hbm4b:s7+s3], $0x80, v4, vm0, $0xb8;
	[tilespmem:$0x18200] =	vst v63  }
0x97: {  	s19 =	simm.s32 $0x12200  }
0x98: {  	[tilespmem:s19], [sflag:$0x5] =	stream.indirect_vreg.gather [hbm4b:s2+s3], $0x80, v3, vm0, $0xb8;
	[tilespmem:$0x18200] =	vst v63  }
0x99: {  	s4 =	simm.s32 $0x12A00  }
0x9a: {  	[tilespmem:s4], [sflag:$0x5] =	stream.indirect_vreg.gather [hbm4b:s5+s3], $0x80, v3, vm0, $0xb8;
	[tilespmem:$0x18200] =	vst v63  }
0x9b: {  	s19 =	simm.s32 $0x13200  }
0x9c: {  	[tilespmem:s19], [sflag:$0x5] =	stream.indirect_vreg.gather [hbm4b:s6+s3], $0x80, v3, vm0, $0xb8;
	[tilespmem:$0x18200] =	vst v63  }
0x9d: {  	s4 =	simm.s32 $0x13A00  }
0x9e: {  	[tilespmem:s4], [sflag:$0x5] =	stream.indirect_vreg.gather [hbm4b:s7+s3], $0x80, v3, vm0, $0xb8;
	[tilespmem:$0x18200] =	vst v63  }
0x9f: {  	v3 =	vld [tilespmem:$0x50];
	_ =	sdelay $0x4  }
0xa0: {  	v37 =	vshll.u32 v3, $0x3  }
0xa1: {  	v3 =	vand.u32 $0x7, v3;
	v4 =	vand.u32 $0xFFFFFFC0, v37  }
0xa2: {  	v3 =	vor.u32 v3, v4  }
0xa3: {  	v4 =	vperm.xlane v3, v0;
	_ =	sdelay $0x1  }
0xa4: {  	v4 =	vadd.s32 v1, v4;
	_ =	sdelay $0x3  }
0xa5: {  	s19 =	simm.s32 $0x14200  }
0xa6: {  	[tilespmem:s19], [sflag:$0x6] =	stream.indirect_vreg.gather [hbm4b:s2+s3], $0x80, v4, vm0, $0xb8;
	[tilespmem:$0x18200] =	vst v63  }
0xa7: {  	s4 =	simm.s32 $0x14A00;
	v3 =	vperm.xlane v3, v2  }
0xa8: {  	[tilespmem:s4], [sflag:$0x6] =	stream.indirect_vreg.gather [hbm4b:s5+s3], $0x80, v4, vm0, $0xb8;
	[tilespmem:$0x18200] =	vst v63  }
0xa9: {  	s18 =	simm.s32 $0x15200;
	v3 =	vadd.s32 v1, v3  }
0xaa: {  	[tilespmem:s18], [sflag:$0x6] =	stream.indirect_vreg.gather [hbm4b:s6+s3], $0x80, v4, vm0, $0xb8;
	[tilespmem:$0x18200] =	vst v63  }
0xab: {  	s4 =	simm.s32 $0x15A00  }
0xac: {  	[tilespmem:s4], [sflag:$0x6] =	stream.indirect_vreg.gather [hbm4b:s7+s3], $0x80, v4, vm0, $0xb8;
	[tilespmem:$0x18200] =	vst v63  }
0xad: {  	s18 =	simm.s32 $0x16200  }
0xae: {  	[tilespmem:s18], [sflag:$0x6] =	stream.indirect_vreg.gather [hbm4b:s2+s3], $0x80, v3, vm0, $0xb8;
	[tilespmem:$0x18200] =	vst v63  }
0xaf: {  	s4 =	simm.s32 $0x16A00  }
0xb0: {  	[tilespmem:s4], [sflag:$0x6] =	stream.indirect_vreg.gather [hbm4b:s5+s3], $0x80, v3, vm0, $0xb8;
	[tilespmem:$0x18200] =	vst v63  }
0xb1: {  	s18 =	simm.s32 $0x17200  }
0xb2: {  	[tilespmem:s18], [sflag:$0x6] =	stream.indirect_vreg.gather [hbm4b:s6+s3], $0x80, v3, vm0, $0xb8;
	[tilespmem:$0x18200] =	vst v63  }
0xb3: {  	s4 =	simm.s32 $0x17A00  }
0xb4: {  	[tilespmem:s4], [sflag:$0x6] =	stream.indirect_vreg.gather [hbm4b:s7+s3], $0x80, v3, vm0, $0xb8;
	[tilespmem:$0x18200] =	vst v63  }
0xb5: {  	_ =	swait.ge [sflag:s1], $0x4000  }
0xb6: {  	s18 =	sld [smem:$0x7FB]  }
0xb7: {  	[sflag:s1] =	ssyncset.done $0x0  }
0xb8: {  	[sflag:s1] =	ssyncadd.s32 $0xFFFFC000  }
0xb9: {  	[hbm4b:s18+s3] =	stream.linear.scatter [tilespmem:s8], [sflag:$0x7], $0x4000, $0x38;
	[tilespmem:$0x18200] =	vst v63  }
0xba: {  	_ =	swait.ge [sflag:s10], $0x4000  }
0xbb: {  	[sflag:s10] =	ssyncset.done $0x0  }
0xbc: {  	[sflag:s10] =	ssyncadd.s32 $0xFFFFC000  }
0xbd: {  	v3 =	vld [tilespmem:$0x60];
	_ =	sdelay $0x4  }
0xbe: {  	v38 =	vshll.u32 v3, $0x3  }
0xbf: {  	v3 =	vand.u32 $0x7, v3;
	v4 =	vand.u32 $0xFFFFFFC0, v38  }
0xc0: {  	v3 =	vor.u32 v3, v4  }
0xc1: {  	v4 =	vperm.xlane v3, v0;
	_ =	sdelay $0x1  }
0xc2: {  	v4 =	vadd.s32 v1, v4;
	_ =	sdelay $0x4  }
0xc3: {  	[tilespmem:s8], [sflag:$0x1] =	stream.indirect_vreg.gather [hbm4b:s2+s3], $0x80, v4, vm0, $0xb8;
	[tilespmem:$0x18200] =	vst v63  }
0xc4: {  	s25 =	simm.s32 $0xA00;
	v3 =	vperm.xlane v3, v2  }
0xc5: {  	[tilespmem:s25], [sflag:$0x1] =	stream.indirect_vreg.gather [hbm4b:s5+s3], $0x80, v4, vm0, $0xb8;
	[tilespmem:$0x18200] =	vst v63  }
0xc6: {  	s26 =	simm.s32 $0x1200;
	v3 =	vadd.s32 v1, v3  }
0xc7: {  	[tilespmem:s26], [sflag:$0x1] =	stream.indirect_vreg.gather [hbm4b:s6+s3], $0x80, v4, vm0, $0xb8;
	[tilespmem:$0x18200] =	vst v63  }
0xc8: {  	s25 =	simm.s32 $0x1A00  }
0xc9: {  	[tilespmem:s25], [sflag:$0x1] =	stream.indirect_vreg.gather [hbm4b:s7+s3], $0x80, v4, vm0, $0xb8;
	[tilespmem:$0x18200] =	vst v63  }
0xca: {  	s0 =	simm.s32 $0x2200  }
0xcb: {  	[tilespmem:s0], [sflag:$0x1] =	stream.indirect_vreg.gather [hbm4b:s2+s3], $0x80, v3, vm0, $0xb8;
	[tilespmem:$0x18200] =	vst v63  }
0xcc: {  	s22 =	simm.s32 $0x2A00  }
0xcd: {  	[tilespmem:s22], [sflag:$0x1] =	stream.indirect_vreg.gather [hbm4b:s5+s3], $0x80, v3, vm0, $0xb8;
	[tilespmem:$0x18200] =	vst v63  }
0xce: {  	s23 =	simm.s32 $0x3200  }
0xcf: {  	[tilespmem:s23], [sflag:$0x1] =	stream.indirect_vreg.gather [hbm4b:s6+s3], $0x80, v3, vm0, $0xb8;
	[tilespmem:$0x18200] =	vst v63  }
0xd0: {  	s24 =	simm.s32 $0x3A00  }
0xd1: {  	[tilespmem:s24], [sflag:$0x1] =	stream.indirect_vreg.gather [hbm4b:s7+s3], $0x80, v3, vm0, $0xb8;
	[tilespmem:$0x18200] =	vst v63  }
0xd2: {  	_ =	swait.ge [sflag:s29], $0x4000  }
0xd3: {  	[sflag:s29] =	ssyncset.done $0x0  }
0xd4: {  	s0 =	simm.s32 $0x4200;
	s26 =	rddreg [dreg:$0x5];
	[sflag:s29] =	ssyncadd.s32 $0xFFFFC000  }
0xd5: {  	[hbm4b:s26+s3] =	stream.linear.scatter [tilespmem:s0], [sflag:$0x8], $0x4000, $0x38;
	[tilespmem:$0x18200] =	vst v63  }
0xd6: {  	_ =	swait.ge [sflag:s31], $0x4000  }
0xd7: {  	[sflag:s31] =	ssyncset.done $0x0  }
0xd8: {  	[sflag:s31] =	ssyncadd.s32 $0xFFFFC000  }
0xd9: {  	v3 =	vld [tilespmem:$0x70];
	_ =	sdelay $0x4  }
0xda: {  	v39 =	vshll.u32 v3, $0x3  }
0xdb: {  	v3 =	vand.u32 $0x7, v3;
	v4 =	vand.u32 $0xFFFFFFC0, v39  }
0xdc: {  	v3 =	vor.u32 v3, v4  }
0xdd: {  	v4 =	vperm.xlane v3, v0;
	_ =	sdelay $0x1  }
0xde: {  	v4 =	vadd.s32 v1, v4;
	_ =	sdelay $0x4  }
0xdf: {  	[tilespmem:s0], [sflag:$0x2] =	stream.indirect_vreg.gather [hbm4b:s2+s3], $0x80, v4, vm0, $0xb8;
	[tilespmem:$0x18200] =	vst v63  }
0xe0: {  	s18 =	simm.s32 $0x4A00;
	v3 =	vperm.xlane v3, v2  }
0xe1: {  	[tilespmem:s18], [sflag:$0x2] =	stream.indirect_vreg.gather [hbm4b:s5+s3], $0x80, v4, vm0, $0xb8;
	[tilespmem:$0x18200] =	vst v63  }
0xe2: {  	s19 =	simm.s32 $0x5200;
	v3 =	vadd.s32 v1, v3  }
0xe3: {  	[tilespmem:s19], [sflag:$0x2] =	stream.indirect_vreg.gather [hbm4b:s6+s3], $0x80, v4, vm0, $0xb8;
	[tilespmem:$0x18200] =	vst v63  }
0xe4: {  	s22 =	simm.s32 $0x5A00  }
0xe5: {  	[tilespmem:s22], [sflag:$0x2] =	stream.indirect_vreg.gather [hbm4b:s7+s3], $0x80, v4, vm0, $0xb8;
	[tilespmem:$0x18200] =	vst v63  }
0xe6: {  	s23 =	simm.s32 $0x6200  }
0xe7: {  	[tilespmem:s23], [sflag:$0x2] =	stream.indirect_vreg.gather [hbm4b:s2+s3], $0x80, v3, vm0, $0xb8;
	[tilespmem:$0x18200] =	vst v63  }
0xe8: {  	s24 =	simm.s32 $0x6A00  }
0xe9: {  	[tilespmem:s24], [sflag:$0x2] =	stream.indirect_vreg.gather [hbm4b:s5+s3], $0x80, v3, vm0, $0xb8;
	[tilespmem:$0x18200] =	vst v63  }
0xea: {  	s25 =	simm.s32 $0x7200  }
0xeb: {  	[tilespmem:s25], [sflag:$0x2] =	stream.indirect_vreg.gather [hbm4b:s6+s3], $0x80, v3, vm0, $0xb8;
	[tilespmem:$0x18200] =	vst v63  }
0xec: {  	s26 =	simm.s32 $0x7A00  }
0xed: {  	[tilespmem:s26], [sflag:$0x2] =	stream.indirect_vreg.gather [hbm4b:s7+s3], $0x80, v3, vm0, $0xb8;
	[tilespmem:$0x18200] =	vst v63  }
0xee: {  	_ =	swait.ge [sflag:s21], $0x4000  }
0xef: {  	[sflag:s21] =	ssyncset.done $0x0  }
0xf0: {  	s18 =	simm.s32 $0x8200;
	s4 =	rddreg [dreg:$0x6];
	[sflag:s21] =	ssyncadd.s32 $0xFFFFC000  }
0xf1: {  	[hbm4b:s4+s3] =	stream.linear.scatter [tilespmem:s18], [sflag:$0x9], $0x4000, $0x38;
	[tilespmem:$0x18200] =	vst v63  }
0xf2: {  	_ =	swait.ge [sflag:s11], $0x4000  }
0xf3: {  	[sflag:s11] =	ssyncset.done $0x0  }
0xf4: {  	[sflag:s11] =	ssyncadd.s32 $0xFFFFC000  }
0xf5: {  	v3 =	vld [tilespmem:$0x80];
	_ =	sdelay $0x4  }
0xf6: {  	v40 =	vshll.u32 v3, $0x3  }
0xf7: {  	v3 =	vand.u32 $0x7, v3;
	v4 =	vand.u32 $0xFFFFFFC0, v40  }
0xf8: {  	v3 =	vor.u32 v3, v4  }
0xf9: {  	v4 =	vperm.xlane v3, v0;
	_ =	sdelay $0x1  }
0xfa: {  	v4 =	vadd.s32 v1, v4;
	_ =	sdelay $0x4  }
0xfb: {  	[tilespmem:s18], [sflag:$0x3] =	stream.indirect_vreg.gather [hbm4b:s2+s3], $0x80, v4, vm0, $0xb8;
	[tilespmem:$0x18200] =	vst v63  }
0xfc: {  	s9 =	simm.s32 $0x8A00;
	v3 =	vperm.xlane v3, v2  }
0xfd: {  	[tilespmem:s9], [sflag:$0x3] =	stream.indirect_vreg.gather [hbm4b:s5+s3], $0x80, v4, vm0, $0xb8;
	[tilespmem:$0x18200] =	vst v63  }
0xfe: {  	s20 =	simm.s32 $0x9200;
	v3 =	vadd.s32 v1, v3  }
0xff: {  	[tilespmem:s20], [sflag:$0x3] =	stream.indirect_vreg.gather [hbm4b:s6+s3], $0x80, v4, vm0, $0xb8;
	[tilespmem:$0x18200] =	vst v63  }
0x100: {  	s28 =	simm.s32 $0x9A00  }
0x101: {  	[tilespmem:s28], [sflag:$0x3] =	stream.indirect_vreg.gather [hbm4b:s7+s3], $0x80, v4, vm0, $0xb8;
	[tilespmem:$0x18200] =	vst v63  }
0x102: {  	s30 =	simm.s32 $0xA200  }
0x103: {  	[tilespmem:s30], [sflag:$0x3] =	stream.indirect_vreg.gather [hbm4b:s2+s3], $0x80, v3, vm0, $0xb8;
	[tilespmem:$0x18200] =	vst v63  }
0x104: {  	s9 =	simm.s32 $0xAA00  }
0x105: {  	[tilespmem:s9], [sflag:$0x3] =	stream.indirect_vreg.gather [hbm4b:s5+s3], $0x80, v3, vm0, $0xb8;
	[tilespmem:$0x18200] =	vst v63  }
0x106: {  	s18 =	simm.s32 $0xB200  }
0x107: {  	[tilespmem:s18], [sflag:$0x3] =	stream.indirect_vreg.gather [hbm4b:s6+s3], $0x80, v3, vm0, $0xb8;
	[tilespmem:$0x18200] =	vst v63  }
0x108: {  	s22 =	simm.s32 $0xBA00  }
0x109: {  	[tilespmem:s22], [sflag:$0x3] =	stream.indirect_vreg.gather [hbm4b:s7+s3], $0x80, v3, vm0, $0xb8;
	[tilespmem:$0x18200] =	vst v63  }
0x10a: {  	_ =	swait.ge [sflag:s12], $0x4000  }
0x10b: {  	[sflag:s12] =	ssyncset.done $0x0  }
0x10c: {  	s24 =	simm.s32 $0xC200;
	s23 =	rddreg [dreg:$0x7];
	[sflag:s12] =	ssyncadd.s32 $0xFFFFC000  }
0x10d: {  	[hbm4b:s23+s3] =	stream.linear.scatter [tilespmem:s24], [sflag:$0xA], $0x4000, $0x38;
	[tilespmem:$0x18200] =	vst v63  }
0x10e: {  	_ =	swait.ge [sflag:s13], $0x4000  }
0x10f: {  	[sflag:s13] =	ssyncset.done $0x0  }
0x110: {  	[sflag:s13] =	ssyncadd.s32 $0xFFFFC000  }
0x111: {  	v3 =	vld [tilespmem:$0x90];
	_ =	sdelay $0x4  }
0x112: {  	v41 =	vshll.u32 v3, $0x3  }
0x113: {  	v3 =	vand.u32 $0x7, v3;
	v4 =	vand.u32 $0xFFFFFFC0, v41  }
0x114: {  	v3 =	vor.u32 v3, v4  }
0x115: {  	v4 =	vperm.xlane v3, v0;
	_ =	sdelay $0x1  }
0x116: {  	v4 =	vadd.s32 v1, v4;
	_ =	sdelay $0x4  }
0x117: {  	[tilespmem:s24], [sflag:$0x4] =	stream.indirect_vreg.gather [hbm4b:s2+s3], $0x80, v4, vm0, $0xb8;
	[tilespmem:$0x18200] =	vst v63  }
0x118: {  	s25 =	simm.s32 $0xCA00;
	v3 =	vperm.xlane v3, v2  }
0x119: {  	[tilespmem:s25], [sflag:$0x4] =	stream.indirect_vreg.gather [hbm4b:s5+s3], $0x80, v4, vm0, $0xb8;
	[tilespmem:$0x18200] =	vst v63  }
0x11a: {  	s28 =	simm.s32 $0xD200;
	v3 =	vadd.s32 v1, v3  }
0x11b: {  	[tilespmem:s28], [sflag:$0x4] =	stream.indirect_vreg.gather [hbm4b:s6+s3], $0x80, v4, vm0, $0xb8;
	[tilespmem:$0x18200] =	vst v63  }
0x11c: {  	s30 =	simm.s32 $0xDA00  }
0x11d: {  	[tilespmem:s30], [sflag:$0x4] =	stream.indirect_vreg.gather [hbm4b:s7+s3], $0x80, v4, vm0, $0xb8;
	[tilespmem:$0x18200] =	vst v63  }
0x11e: {  	s26 =	simm.s32 $0xE200  }
0x11f: {  	[tilespmem:s26], [sflag:$0x4] =	stream.indirect_vreg.gather [hbm4b:s2+s3], $0x80, v3, vm0, $0xb8;
	[tilespmem:$0x18200] =	vst v63  }
0x120: {  	s4 =	simm.s32 $0xEA00  }
0x121: {  	[tilespmem:s4], [sflag:$0x4] =	stream.indirect_vreg.gather [hbm4b:s5+s3], $0x80, v3, vm0, $0xb8;
	[tilespmem:$0x18200] =	vst v63  }
0x122: {  	s20 =	simm.s32 $0xF200  }
0x123: {  	[tilespmem:s20], [sflag:$0x4] =	stream.indirect_vreg.gather [hbm4b:s6+s3], $0x80, v3, vm0, $0xb8;
	[tilespmem:$0x18200] =	vst v63  }
0x124: {  	s19 =	simm.s32 $0xFA00  }
0x125: {  	[tilespmem:s19], [sflag:$0x4] =	stream.indirect_vreg.gather [hbm4b:s7+s3], $0x80, v3, vm0, $0xb8;
	[tilespmem:$0x18200] =	vst v63  }
0x126: {  	_ =	swait.ge [sflag:s14], $0x4000  }
0x127: {  	[sflag:s14] =	ssyncset.done $0x0  }
0x128: {  	s23 =	simm.s32 $0x10200;
	s22 =	rddreg [dreg:$0x8];
	[sflag:s14] =	ssyncadd.s32 $0xFFFFC000  }
0x129: {  	[hbm4b:s22+s3] =	stream.linear.scatter [tilespmem:s23], [sflag:$0xB], $0x4000, $0x38;
	[tilespmem:$0x18200] =	vst v63  }
0x12a: {  	_ =	swait.ge [sflag:s15], $0x4000  }
0x12b: {  	[sflag:s15] =	ssyncset.done $0x0  }
0x12c: {  	[sflag:s15] =	ssyncadd.s32 $0xFFFFC000  }
0x12d: {  	v3 =	vld [tilespmem:$0xA0];
	_ =	sdelay $0x4  }
0x12e: {  	v42 =	vshll.u32 v3, $0x3  }
0x12f: {  	v3 =	vand.u32 $0x7, v3;
	v4 =	vand.u32 $0xFFFFFFC0, v42  }
0x130: {  	v3 =	vor.u32 v3, v4  }
0x131: {  	v4 =	vperm.xlane v3, v0;
	_ =	sdelay $0x1  }
0x132: {  	v4 =	vadd.s32 v1, v4;
	_ =	sdelay $0x4  }
0x133: {  	[tilespmem:s23], [sflag:$0x5] =	stream.indirect_vreg.gather [hbm4b:s2+s3], $0x80, v4, vm0, $0xb8;
	[tilespmem:$0x18200] =	vst v63  }
0x134: {  	s25 =	simm.s32 $0x10A00;
	v3 =	vperm.xlane v3, v2  }
0x135: {  	[tilespmem:s25], [sflag:$0x5] =	stream.indirect_vreg.gather [hbm4b:s5+s3], $0x80, v4, vm0, $0xb8;
	[tilespmem:$0x18200] =	vst v63  }
0x136: {  	s24 =	simm.s32 $0x11200;
	v3 =	vadd.s32 v1, v3  }
0x137: {  	[tilespmem:s24], [sflag:$0x5] =	stream.indirect_vreg.gather [hbm4b:s6+s3], $0x80, v4, vm0, $0xb8;
	[tilespmem:$0x18200] =	vst v63  }
0x138: {  	s26 =	simm.s32 $0x11A00  }
0x139: {  	[tilespmem:s26], [sflag:$0x5] =	stream.indirect_vreg.gather [hbm4b:s7+s3], $0x80, v4, vm0, $0xb8;
	[tilespmem:$0x18200] =	vst v63  }
0x13a: {  	s22 =	simm.s32 $0x12200  }
0x13b: {  	[tilespmem:s22], [sflag:$0x5] =	stream.indirect_vreg.gather [hbm4b:s2+s3], $0x80, v3, vm0, $0xb8;
	[tilespmem:$0x18200] =	vst v63  }
0x13c: {  	s23 =	simm.s32 $0x12A00  }
0x13d: {  	[tilespmem:s23], [sflag:$0x5] =	stream.indirect_vreg.gather [hbm4b:s5+s3], $0x80, v3, vm0, $0xb8;
	[tilespmem:$0x18200] =	vst v63  }
0x13e: {  	s24 =	simm.s32 $0x13200  }
0x13f: {  	[tilespmem:s24], [sflag:$0x5] =	stream.indirect_vreg.gather [hbm4b:s6+s3], $0x80, v3, vm0, $0xb8;
	[tilespmem:$0x18200] =	vst v63  }
0x140: {  	s26 =	simm.s32 $0x13A00  }
0x141: {  	[tilespmem:s26], [sflag:$0x5] =	stream.indirect_vreg.gather [hbm4b:s7+s3], $0x80, v3, vm0, $0xb8;
	[tilespmem:$0x18200] =	vst v63  }
0x142: {  	_ =	swait.ge [sflag:s16], $0x4000  }
0x143: {  	[sflag:s16] =	ssyncset.done $0x0  }
0x144: {  	s4 =	simm.s32 $0x14200;
	s0 =	rddreg [dreg:$0x9];
	[sflag:s16] =	ssyncadd.s32 $0xFFFFC000  }
0x145: {  	[hbm4b:s0+s3] =	stream.linear.scatter [tilespmem:s4], [sflag:$0xC], $0x4000, $0x38;
	[tilespmem:$0x18200] =	vst v63  }
0x146: {  	_ =	swait.ge [sflag:s17], $0x4000  }
0x147: {  	[sflag:s17] =	ssyncset.done $0x0  }
0x148: {  	[sflag:s17] =	ssyncadd.s32 $0xFFFFC000  }
0x149: {  	v3 =	vld [tilespmem:$0xB0];
	_ =	sdelay $0x4  }
0x14a: {  	v43 =	vshll.u32 v3, $0x3  }
0x14b: {  	v3 =	vand.u32 $0x7, v3;
	v4 =	vand.u32 $0xFFFFFFC0, v43  }
0x14c: {  	v3 =	vor.u32 v3, v4  }
0x14d: {  	v4 =	vperm.xlane v3, v0;
	_ =	sdelay $0x1  }
0x14e: {  	v4 =	vadd.s32 v1, v4;
	_ =	sdelay $0x4  }
0x14f: {  	[tilespmem:s4], [sflag:$0x6] =	stream.indirect_vreg.gather [hbm4b:s2+s3], $0x80, v4, vm0, $0xb8;
	[tilespmem:$0x18200] =	vst v63  }
0x150: {  	s19 =	simm.s32 $0x14A00;
	v3 =	vperm.xlane v3, v2  }
0x151: {  	[tilespmem:s19], [sflag:$0x6] =	stream.indirect_vreg.gather [hbm4b:s5+s3], $0x80, v4, vm0, $0xb8;
	[tilespmem:$0x18200] =	vst v63  }
0x152: {  	v3 =	vadd.s32 v1, v3;
	s4 =	simm.s32 $0x15200  }
0x153: {  	[tilespmem:s4], [sflag:$0x6] =	stream.indirect_vreg.gather [hbm4b:s6+s3], $0x80, v4, vm0, $0xb8;
	[tilespmem:$0x18200] =	vst v63  }
0x154: {  	s19 =	simm.s32 $0x15A00  }
0x155: {  	[tilespmem:s19], [sflag:$0x6] =	stream.indirect_vreg.gather [hbm4b:s7+s3], $0x80, v4, vm0, $0xb8;
	[tilespmem:$0x18200] =	vst v63  }
0x156: {  	s4 =	simm.s32 $0x16200  }
0x157: {  	[tilespmem:s4], [sflag:$0x6] =	stream.indirect_vreg.gather [hbm4b:s2+s3], $0x80, v3, vm0, $0xb8;
	[tilespmem:$0x18200] =	vst v63  }
0x158: {  	s19 =	simm.s32 $0x16A00  }
0x159: {  	[tilespmem:s19], [sflag:$0x6] =	stream.indirect_vreg.gather [hbm4b:s5+s3], $0x80, v3, vm0, $0xb8;
	[tilespmem:$0x18200] =	vst v63  }
0x15a: {  	s4 =	simm.s32 $0x17200  }
0x15b: {  	[tilespmem:s4], [sflag:$0x6] =	stream.indirect_vreg.gather [hbm4b:s6+s3], $0x80, v3, vm0, $0xb8;
	[tilespmem:$0x18200] =	vst v63  }
0x15c: {  	s19 =	simm.s32 $0x17A00  }
0x15d: {  	[tilespmem:s19], [sflag:$0x6] =	stream.indirect_vreg.gather [hbm4b:s7+s3], $0x80, v3, vm0, $0xb8;
	[tilespmem:$0x18200] =	vst v63  }
0x15e: {  	_ =	swait.ge [sflag:s1], $0x4000  }
0x15f: {  	[sflag:s1] =	ssyncset.done $0x0  }
0x160: {  	s4 =	rddreg [dreg:$0xa];
	[sflag:s1] =	ssyncadd.s32 $0xFFFFC000  }
0x161: {  	[hbm4b:s4+s3] =	stream.linear.scatter [tilespmem:s8], [sflag:$0x7], $0x4000, $0x38;
	[tilespmem:$0x18200] =	vst v63  }
0x162: {  	_ =	swait.ge [sflag:s10], $0x4000  }
0x163: {  	[sflag:s10] =	ssyncset.done $0x0  }
0x164: {  	[sflag:s10] =	ssyncadd.s32 $0xFFFFC000  }
0x165: {  	v3 =	vld [tilespmem:$0xC0];
	_ =	sdelay $0x4  }
0x166: {  	v44 =	vshll.u32 v3, $0x3  }
0x167: {  	v3 =	vand.u32 $0x7, v3;
	v4 =	vand.u32 $0xFFFFFFC0, v44  }
0x168: {  	v3 =	vor.u32 v3, v4  }
0x169: {  	v4 =	vperm.xlane v3, v0;
	_ =	sdelay $0x1  }
0x16a: {  	v4 =	vadd.s32 v1, v4;
	_ =	sdelay $0x4  }
0x16b: {  	[tilespmem:s8], [sflag:$0x1] =	stream.indirect_vreg.gather [hbm4b:s2+s3], $0x80, v4, vm0, $0xb8;
	[tilespmem:$0x18200] =	vst v63  }
0x16c: {  	s19 =	simm.s32 $0xA00;
	v3 =	vperm.xlane v3, v2  }
0x16d: {  	[tilespmem:s19], [sflag:$0x1] =	stream.indirect_vreg.gather [hbm4b:s5+s3], $0x80, v4, vm0, $0xb8;
	[tilespmem:$0x18200] =	vst v63  }
0x16e: {  	s4 =	simm.s32 $0x1200;
	v3 =	vadd.s32 v1, v3  }
0x16f: {  	[tilespmem:s4], [sflag:$0x1] =	stream.indirect_vreg.gather [hbm4b:s6+s3], $0x80, v4, vm0, $0xb8;
	[tilespmem:$0x18200] =	vst v63  }
0x170: {  	s19 =	simm.s32 $0x1A00  }
0x171: {  	[tilespmem:s19], [sflag:$0x1] =	stream.indirect_vreg.gather [hbm4b:s7+s3], $0x80, v4, vm0, $0xb8;
	[tilespmem:$0x18200] =	vst v63  }
0x172: {  	s4 =	simm.s32 $0x2200  }
0x173: {  	[tilespmem:s4], [sflag:$0x1] =	stream.indirect_vreg.gather [hbm4b:s2+s3], $0x80, v3, vm0, $0xb8;
	[tilespmem:$0x18200] =	vst v63  }
0x174: {  	s19 =	simm.s32 $0x2A00  }
0x175: {  	[tilespmem:s19], [sflag:$0x1] =	stream.indirect_vreg.gather [hbm4b:s5+s3], $0x80, v3, vm0, $0xb8;
	[tilespmem:$0x18200] =	vst v63  }
0x176: {  	s4 =	simm.s32 $0x3200  }
0x177: {  	[tilespmem:s4], [sflag:$0x1] =	stream.indirect_vreg.gather [hbm4b:s6+s3], $0x80, v3, vm0, $0xb8;
	[tilespmem:$0x18200] =	vst v63  }
0x178: {  	s19 =	simm.s32 $0x3A00  }
0x179: {  	[tilespmem:s19], [sflag:$0x1] =	stream.indirect_vreg.gather [hbm4b:s7+s3], $0x80, v3, vm0, $0xb8;
	[tilespmem:$0x18200] =	vst v63  }
0x17a: {  	_ =	swait.ge [sflag:s29], $0x4000  }
0x17b: {  	[sflag:s29] =	ssyncset.done $0x0  }
0x17c: {  	s4 =	simm.s32 $0x4200;
	s0 =	rddreg [dreg:$0xb];
	[sflag:s29] =	ssyncadd.s32 $0xFFFFC000  }
0x17d: {  	[hbm4b:s0+s3] =	stream.linear.scatter [tilespmem:s4], [sflag:$0x8], $0x4000, $0x38;
	[tilespmem:$0x18200] =	vst v63  }
0x17e: {  	_ =	swait.ge [sflag:s31], $0x4000  }
0x17f: {  	[sflag:s31] =	ssyncset.done $0x0  }
0x180: {  	[sflag:s31] =	ssyncadd.s32 $0xFFFFC000  }
0x181: {  	v3 =	vld [tilespmem:$0xD0];
	_ =	sdelay $0x4  }
0x182: {  	v45 =	vshll.u32 v3, $0x3  }
0x183: {  	v3 =	vand.u32 $0x7, v3;
	v4 =	vand.u32 $0xFFFFFFC0, v45  }
0x184: {  	v3 =	vor.u32 v3, v4  }
0x185: {  	v4 =	vperm.xlane v3, v0;
	_ =	sdelay $0x1  }
0x186: {  	v4 =	vadd.s32 v1, v4;
	_ =	sdelay $0x4  }
0x187: {  	[tilespmem:s4], [sflag:$0x2] =	stream.indirect_vreg.gather [hbm4b:s2+s3], $0x80, v4, vm0, $0xb8;
	[tilespmem:$0x18200] =	vst v63  }
0x188: {  	s19 =	simm.s32 $0x4A00;
	v3 =	vperm.xlane v3, v2  }
0x189: {  	[tilespmem:s19], [sflag:$0x2] =	stream.indirect_vreg.gather [hbm4b:s5+s3], $0x80, v4, vm0, $0xb8;
	[tilespmem:$0x18200] =	vst v63  }
0x18a: {  	v3 =	vadd.s32 v1, v3;
	s4 =	simm.s32 $0x5200  }
0x18b: {  	[tilespmem:s4], [sflag:$0x2] =	stream.indirect_vreg.gather [hbm4b:s6+s3], $0x80, v4, vm0, $0xb8;
	[tilespmem:$0x18200] =	vst v63  }
0x18c: {  	s19 =	simm.s32 $0x5A00  }
0x18d: {  	[tilespmem:s19], [sflag:$0x2] =	stream.indirect_vreg.gather [hbm4b:s7+s3], $0x80, v4, vm0, $0xb8;
	[tilespmem:$0x18200] =	vst v63  }
0x18e: {  	s4 =	simm.s32 $0x6200  }
0x18f: {  	[tilespmem:s4], [sflag:$0x2] =	stream.indirect_vreg.gather [hbm4b:s2+s3], $0x80, v3, vm0, $0xb8;
	[tilespmem:$0x18200] =	vst v63  }
0x190: {  	s19 =	simm.s32 $0x6A00  }
0x191: {  	[tilespmem:s19], [sflag:$0x2] =	stream.indirect_vreg.gather [hbm4b:s5+s3], $0x80, v3, vm0, $0xb8;
	[tilespmem:$0x18200] =	vst v63  }
0x192: {  	s4 =	simm.s32 $0x7200  }
0x193: {  	[tilespmem:s4], [sflag:$0x2] =	stream.indirect_vreg.gather [hbm4b:s6+s3], $0x80, v3, vm0, $0xb8;
	[tilespmem:$0x18200] =	vst v63  }
0x194: {  	s19 =	simm.s32 $0x7A00  }
0x195: {  	[tilespmem:s19], [sflag:$0x2] =	stream.indirect_vreg.gather [hbm4b:s7+s3], $0x80, v3, vm0, $0xb8;
	[tilespmem:$0x18200] =	vst v63  }
0x196: {  	_ =	swait.ge [sflag:s21], $0x4000  }
0x197: {  	[sflag:s21] =	ssyncset.done $0x0  }
0x198: {  	s4 =	simm.s32 $0x8200;
	s0 =	rddreg [dreg:$0xc];
	[sflag:s21] =	ssyncadd.s32 $0xFFFFC000  }
0x199: {  	[hbm4b:s0+s3] =	stream.linear.scatter [tilespmem:s4], [sflag:$0x9], $0x4000, $0x38;
	[tilespmem:$0x18200] =	vst v63  }
0x19a: {  	_ =	swait.ge [sflag:s11], $0x4000  }
0x19b: {  	[sflag:s11] =	ssyncset.done $0x0  }
0x19c: {  	[sflag:s11] =	ssyncadd.s32 $0xFFFFC000  }
0x19d: {  	v3 =	vld [tilespmem:$0xE0];
	_ =	sdelay $0x4  }
0x19e: {  	v46 =	vshll.u32 v3, $0x3  }
0x19f: {  	v3 =	vand.u32 $0x7, v3;
	v4 =	vand.u32 $0xFFFFFFC0, v46  }
0x1a0: {  	v3 =	vor.u32 v3, v4  }
0x1a1: {  	v4 =	vperm.xlane v3, v0;
	_ =	sdelay $0x1  }
0x1a2: {  	v4 =	vadd.s32 v1, v4;
	_ =	sdelay $0x4  }
0x1a3: {  	[tilespmem:s4], [sflag:$0x3] =	stream.indirect_vreg.gather [hbm4b:s2+s3], $0x80, v4, vm0, $0xb8;
	[tilespmem:$0x18200] =	vst v63  }
0x1a4: {  	s19 =	simm.s32 $0x8A00;
	v3 =	vperm.xlane v3, v2  }
0x1a5: {  	[tilespmem:s19], [sflag:$0x3] =	stream.indirect_vreg.gather [hbm4b:s5+s3], $0x80, v4, vm0, $0xb8;
	[tilespmem:$0x18200] =	vst v63  }
0x1a6: {  	v3 =	vadd.s32 v1, v3;
	s19 =	simm.s32 $0x9200  }
0x1a7: {  	[tilespmem:s19], [sflag:$0x3] =	stream.indirect_vreg.gather [hbm4b:s6+s3], $0x80, v4, vm0, $0xb8;
	[tilespmem:$0x18200] =	vst v63  }
0x1a8: {  	s19 =	simm.s32 $0x9A00  }
0x1a9: {  	[tilespmem:s19], [sflag:$0x3] =	stream.indirect_vreg.gather [hbm4b:s7+s3], $0x80, v4, vm0, $0xb8;
	[tilespmem:$0x18200] =	vst v63  }
0x1aa: {  	s19 =	simm.s32 $0xA200  }
0x1ab: {  	[tilespmem:s19], [sflag:$0x3] =	stream.indirect_vreg.gather [hbm4b:s2+s3], $0x80, v3, vm0, $0xb8;
	[tilespmem:$0x18200] =	vst v63  }
0x1ac: {  	_ = 	snop  }
0x1ad: {  	[tilespmem:s9], [sflag:$0x3] =	stream.indirect_vreg.gather [hbm4b:s5+s3], $0x80, v3, vm0, $0xb8;
	[tilespmem:$0x18200] =	vst v63  }
0x1ae: {  	_ = 	snop  }
0x1af: {  	[tilespmem:s18], [sflag:$0x3] =	stream.indirect_vreg.gather [hbm4b:s6+s3], $0x80, v3, vm0, $0xb8;
	[tilespmem:$0x18200] =	vst v63  }
0x1b0: {  	s19 =	simm.s32 $0xBA00  }
0x1b1: {  	[tilespmem:s19], [sflag:$0x3] =	stream.indirect_vreg.gather [hbm4b:s7+s3], $0x80, v3, vm0, $0xb8;
	[tilespmem:$0x18200] =	vst v63  }
0x1b2: {  	_ =	swait.ge [sflag:s12], $0x4000  }
0x1b3: {  	[sflag:s12] =	ssyncset.done $0x0  }
0x1b4: {  	s18 =	simm.s32 $0xC200;
	s9 =	rddreg [dreg:$0xd];
	[sflag:s12] =	ssyncadd.s32 $0xFFFFC000  }
0x1b5: {  	[hbm4b:s9+s3] =	stream.linear.scatter [tilespmem:s18], [sflag:$0xA], $0x4000, $0x38;
	[tilespmem:$0x18200] =	vst v63  }
0x1b6: {  	_ =	swait.ge [sflag:s13], $0x4000  }
0x1b7: {  	[sflag:s13] =	ssyncset.done $0x0  }
0x1b8: {  	[sflag:s13] =	ssyncadd.s32 $0xFFFFC000  }
0x1b9: {  	v3 =	vld [tilespmem:$0xF0];
	_ =	sdelay $0x4  }
0x1ba: {  	v47 =	vshll.u32 v3, $0x3  }
0x1bb: {  	v3 =	vand.u32 $0x7, v3;
	v4 =	vand.u32 $0xFFFFFFC0, v47  }
0x1bc: {  	v3 =	vor.u32 v3, v4  }
0x1bd: {  	v4 =	vperm.xlane v3, v0;
	_ =	sdelay $0x1  }
0x1be: {  	v4 =	vadd.s32 v1, v4;
	_ =	sdelay $0x4  }
0x1bf: {  	[tilespmem:s18], [sflag:$0x4] =	stream.indirect_vreg.gather [hbm4b:s2+s3], $0x80, v4, vm0, $0xb8;
	[tilespmem:$0x18200] =	vst v63  }
0x1c0: {  	s9 =	simm.s32 $0xCA00;
	v3 =	vperm.xlane v3, v2  }
0x1c1: {  	[tilespmem:s9], [sflag:$0x4] =	stream.indirect_vreg.gather [hbm4b:s5+s3], $0x80, v4, vm0, $0xb8;
	[tilespmem:$0x18200] =	vst v63  }
0x1c2: {  	v3 =	vadd.s32 v1, v3  }
0x1c3: {  	[tilespmem:s28], [sflag:$0x4] =	stream.indirect_vreg.gather [hbm4b:s6+s3], $0x80, v4, vm0, $0xb8;
	[tilespmem:$0x18200] =	vst v63  }
0x1c4: {  	_ = 	snop  }
0x1c5: {  	[tilespmem:s30], [sflag:$0x4] =	stream.indirect_vreg.gather [hbm4b:s7+s3], $0x80, v4, vm0, $0xb8;
	[tilespmem:$0x18200] =	vst v63  }
0x1c6: {  	s19 =	simm.s32 $0xE200  }
0x1c7: {  	[tilespmem:s19], [sflag:$0x4] =	stream.indirect_vreg.gather [hbm4b:s2+s3], $0x80, v3, vm0, $0xb8;
	[tilespmem:$0x18200] =	vst v63  }
0x1c8: {  	s28 =	simm.s32 $0xEA00  }
0x1c9: {  	[tilespmem:s28], [sflag:$0x4] =	stream.indirect_vreg.gather [hbm4b:s5+s3], $0x80, v3, vm0, $0xb8;
	[tilespmem:$0x18200] =	vst v63  }
0x1ca: {  	_ = 	snop  }
0x1cb: {  	[tilespmem:s20], [sflag:$0x4] =	stream.indirect_vreg.gather [hbm4b:s6+s3], $0x80, v3, vm0, $0xb8;
	[tilespmem:$0x18200] =	vst v63  }
0x1cc: {  	s30 =	simm.s32 $0xFA00  }
0x1cd: {  	[tilespmem:s30], [sflag:$0x4] =	stream.indirect_vreg.gather [hbm4b:s7+s3], $0x80, v3, vm0, $0xb8;
	[tilespmem:$0x18200] =	vst v63  }
0x1ce: {  	_ =	swait.ge [sflag:s14], $0x4000  }
0x1cf: {  	[sflag:s14] =	ssyncset.done $0x0  }
0x1d0: {  	s9 =	simm.s32 $0x10200;
	s0 =	rddreg [dreg:$0xe];
	[sflag:s14] =	ssyncadd.s32 $0xFFFFC000  }
0x1d1: {  	[hbm4b:s0+s3] =	stream.linear.scatter [tilespmem:s9], [sflag:$0xB], $0x4000, $0x38;
	[tilespmem:$0x18200] =	vst v63  }
0x1d2: {  	_ =	swait.ge [sflag:s15], $0x4000  }
0x1d3: {  	[sflag:s15] =	ssyncset.done $0x0  }
0x1d4: {  	[sflag:s15] =	ssyncadd.s32 $0xFFFFC000  }
0x1d5: {  	v3 =	vld [tilespmem:$0x100];
	_ =	sdelay $0x4  }
0x1d6: {  	v48 =	vshll.u32 v3, $0x3  }
0x1d7: {  	v3 =	vand.u32 $0x7, v3;
	v4 =	vand.u32 $0xFFFFFFC0, v48  }
0x1d8: {  	v3 =	vor.u32 v3, v4  }
0x1d9: {  	v4 =	vperm.xlane v3, v0;
	_ =	sdelay $0x1  }
0x1da: {  	v4 =	vadd.s32 v1, v4;
	_ =	sdelay $0x4  }
0x1db: {  	[tilespmem:s9], [sflag:$0x5] =	stream.indirect_vreg.gather [hbm4b:s2+s3], $0x80, v4, vm0, $0xb8;
	[tilespmem:$0x18200] =	vst v63  }
0x1dc: {  	v3 =	vperm.xlane v3, v2  }
0x1dd: {  	[tilespmem:s25], [sflag:$0x5] =	stream.indirect_vreg.gather [hbm4b:s5+s3], $0x80, v4, vm0, $0xb8;
	[tilespmem:$0x18200] =	vst v63  }
0x1de: {  	s19 =	simm.s32 $0x11200;
	v3 =	vadd.s32 v1, v3  }
0x1df: {  	[tilespmem:s19], [sflag:$0x5] =	stream.indirect_vreg.gather [hbm4b:s6+s3], $0x80, v4, vm0, $0xb8;
	[tilespmem:$0x18200] =	vst v63  }
0x1e0: {  	s20 =	simm.s32 $0x11A00  }
0x1e1: {  	[tilespmem:s20], [sflag:$0x5] =	stream.indirect_vreg.gather [hbm4b:s7+s3], $0x80, v4, vm0, $0xb8;
	[tilespmem:$0x18200] =	vst v63  }
0x1e2: {  	_ = 	snop  }
0x1e3: {  	[tilespmem:s22], [sflag:$0x5] =	stream.indirect_vreg.gather [hbm4b:s2+s3], $0x80, v3, vm0, $0xb8;
	[tilespmem:$0x18200] =	vst v63  }
0x1e4: {  	_ = 	snop  }
0x1e5: {  	[tilespmem:s23], [sflag:$0x5] =	stream.indirect_vreg.gather [hbm4b:s5+s3], $0x80, v3, vm0, $0xb8;
	[tilespmem:$0x18200] =	vst v63  }
0x1e6: {  	_ = 	snop  }
0x1e7: {  	[tilespmem:s24], [sflag:$0x5] =	stream.indirect_vreg.gather [hbm4b:s6+s3], $0x80, v3, vm0, $0xb8;
	[tilespmem:$0x18200] =	vst v63  }
0x1e8: {  	_ = 	snop  }
0x1e9: {  	[tilespmem:s26], [sflag:$0x5] =	stream.indirect_vreg.gather [hbm4b:s7+s3], $0x80, v3, vm0, $0xb8;
	[tilespmem:$0x18200] =	vst v63  }
0x1ea: {  	_ =	swait.ge [sflag:s16], $0x4000  }
0x1eb: {  	[sflag:s16] =	ssyncset.done $0x0  }
0x1ec: {  	s23 =	simm.s32 $0x14200;
	s22 =	rddreg [dreg:$0xf];
	[sflag:s16] =	ssyncadd.s32 $0xFFFFC000  }
0x1ed: {  	[hbm4b:s22+s3] =	stream.linear.scatter [tilespmem:s23], [sflag:$0xC], $0x4000, $0x38;
	[tilespmem:$0x18200] =	vst v63  }
0x1ee: {  	_ =	swait.ge [sflag:s17], $0x4000  }
0x1ef: {  	[sflag:s17] =	ssyncset.done $0x0  }
0x1f0: {  	[sflag:s17] =	ssyncadd.s32 $0xFFFFC000  }
0x1f1: {  	v3 =	vld [tilespmem:$0x110];
	_ =	sdelay $0x4  }
0x1f2: {  	v49 =	vshll.u32 v3, $0x3  }
0x1f3: {  	v3 =	vand.u32 $0x7, v3;
	v4 =	vand.u32 $0xFFFFFFC0, v49  }
0x1f4: {  	v3 =	vor.u32 v3, v4  }
0x1f5: {  	v4 =	vperm.xlane v3, v0;
	_ =	sdelay $0x1  }
0x1f6: {  	v4 =	vadd.s32 v1, v4;
	_ =	sdelay $0x4  }
0x1f7: {  	[tilespmem:s23], [sflag:$0x6] =	stream.indirect_vreg.gather [hbm4b:s2+s3], $0x80, v4, vm0, $0xb8;
	[tilespmem:$0x18200] =	vst v63  }
0x1f8: {  	s24 =	simm.s32 $0x14A00;
	v3 =	vperm.xlane v3, v2  }
0x1f9: {  	[tilespmem:s24], [sflag:$0x6] =	stream.indirect_vreg.gather [hbm4b:s5+s3], $0x80, v4, vm0, $0xb8;
	[tilespmem:$0x18200] =	vst v63  }
0x1fa: {  	s26 =	simm.s32 $0x15200;
	v3 =	vadd.s32 v1, v3  }
0x1fb: {  	[tilespmem:s26], [sflag:$0x6] =	stream.indirect_vreg.gather [hbm4b:s6+s3], $0x80, v4, vm0, $0xb8;
	[tilespmem:$0x18200] =	vst v63  }
0x1fc: {  	s19 =	simm.s32 $0x15A00  }
0x1fd: {  	[tilespmem:s19], [sflag:$0x6] =	stream.indirect_vreg.gather [hbm4b:s7+s3], $0x80, v4, vm0, $0xb8;
	[tilespmem:$0x18200] =	vst v63  }
0x1fe: {  	s20 =	simm.s32 $0x16200  }
0x1ff: {  	[tilespmem:s20], [sflag:$0x6] =	stream.indirect_vreg.gather [hbm4b:s2+s3], $0x80, v3, vm0, $0xb8;
	[tilespmem:$0x18200] =	vst v63  }
0x200: {  	s23 =	simm.s32 $0x16A00  }
0x201: {  	[tilespmem:s23], [sflag:$0x6] =	stream.indirect_vreg.gather [hbm4b:s5+s3], $0x80, v3, vm0, $0xb8;
	[tilespmem:$0x18200] =	vst v63  }
0x202: {  	s24 =	simm.s32 $0x17200  }
0x203: {  	[tilespmem:s24], [sflag:$0x6] =	stream.indirect_vreg.gather [hbm4b:s6+s3], $0x80, v3, vm0, $0xb8;
	[tilespmem:$0x18200] =	vst v63  }
0x204: {  	s26 =	simm.s32 $0x17A00  }
0x205: {  	[tilespmem:s26], [sflag:$0x6] =	stream.indirect_vreg.gather [hbm4b:s7+s3], $0x80, v3, vm0, $0xb8;
	[tilespmem:$0x18200] =	vst v63  }
0x206: {  	_ =	swait.ge [sflag:s1], $0x4000  }
0x207: {  	[sflag:s1] =	ssyncset.done $0x0  }
0x208: {  	s9 =	rddreg [dreg:$0x10];
	[sflag:s1] =	ssyncadd.s32 $0xFFFFC000  }
0x209: {  	[hbm4b:s9+s3] =	stream.linear.scatter [tilespmem:s8], [sflag:$0x7], $0x4000, $0x38;
	[tilespmem:$0x18200] =	vst v63  }
0x20a: {  	_ =	swait.ge [sflag:s10], $0x4000  }
0x20b: {  	[sflag:s10] =	ssyncset.done $0x0  }
0x20c: {  	[sflag:s10] =	ssyncadd.s32 $0xFFFFC000  }
0x20d: {  	v3 =	vld [tilespmem:$0x120];
	_ =	sdelay $0x4  }
0x20e: {  	v50 =	vshll.u32 v3, $0x3  }
0x20f: {  	v3 =	vand.u32 $0x7, v3;
	v4 =	vand.u32 $0xFFFFFFC0, v50  }
0x210: {  	v3 =	vor.u32 v3, v4  }
0x211: {  	v4 =	vperm.xlane v3, v0;
	_ =	sdelay $0x1  }
0x212: {  	v4 =	vadd.s32 v1, v4;
	_ =	sdelay $0x4  }
0x213: {  	[tilespmem:s8], [sflag:$0x1] =	stream.indirect_vreg.gather [hbm4b:s2+s3], $0x80, v4, vm0, $0xb8;
	[tilespmem:$0x18200] =	vst v63  }
0x214: {  	s19 =	simm.s32 $0xA00;
	v3 =	vperm.xlane v3, v2  }
0x215: {  	[tilespmem:s19], [sflag:$0x1] =	stream.indirect_vreg.gather [hbm4b:s5+s3], $0x80, v4, vm0, $0xb8;
	[tilespmem:$0x18200] =	vst v63  }
0x216: {  	s20 =	simm.s32 $0x1200;
	v3 =	vadd.s32 v1, v3  }
0x217: {  	[tilespmem:s20], [sflag:$0x1] =	stream.indirect_vreg.gather [hbm4b:s6+s3], $0x80, v4, vm0, $0xb8;
	[tilespmem:$0x18200] =	vst v63  }
0x218: {  	s23 =	simm.s32 $0x1A00  }
0x219: {  	[tilespmem:s23], [sflag:$0x1] =	stream.indirect_vreg.gather [hbm4b:s7+s3], $0x80, v4, vm0, $0xb8;
	[tilespmem:$0x18200] =	vst v63  }
0x21a: {  	s24 =	simm.s32 $0x2200  }
0x21b: {  	[tilespmem:s24], [sflag:$0x1] =	stream.indirect_vreg.gather [hbm4b:s2+s3], $0x80, v3, vm0, $0xb8;
	[tilespmem:$0x18200] =	vst v63  }
0x21c: {  	s26 =	simm.s32 $0x2A00  }
0x21d: {  	[tilespmem:s26], [sflag:$0x1] =	stream.indirect_vreg.gather [hbm4b:s5+s3], $0x80, v3, vm0, $0xb8;
	[tilespmem:$0x18200] =	vst v63  }
0x21e: {  	s19 =	simm.s32 $0x3200  }
0x21f: {  	[tilespmem:s19], [sflag:$0x1] =	stream.indirect_vreg.gather [hbm4b:s6+s3], $0x80, v3, vm0, $0xb8;
	[tilespmem:$0x18200] =	vst v63  }
0x220: {  	s20 =	simm.s32 $0x3A00  }
0x221: {  	[tilespmem:s20], [sflag:$0x1] =	stream.indirect_vreg.gather [hbm4b:s7+s3], $0x80, v3, vm0, $0xb8;
	[tilespmem:$0x18200] =	vst v63  }
0x222: {  	_ =	swait.ge [sflag:s29], $0x4000  }
0x223: {  	[sflag:s29] =	ssyncset.done $0x0  }
0x224: {  	s24 =	simm.s32 $0x4200;
	s23 =	rddreg [dreg:$0x11];
	[sflag:s29] =	ssyncadd.s32 $0xFFFFC000  }
0x225: {  	[hbm4b:s23+s3] =	stream.linear.scatter [tilespmem:s24], [sflag:$0x8], $0x4000, $0x38;
	[tilespmem:$0x18200] =	vst v63  }
0x226: {  	_ =	swait.ge [sflag:s31], $0x4000  }
0x227: {  	[sflag:s31] =	ssyncset.done $0x0  }
0x228: {  	[sflag:s31] =	ssyncadd.s32 $0xFFFFC000  }
0x229: {  	v3 =	vld [tilespmem:$0x130];
	_ =	sdelay $0x4  }
0x22a: {  	v51 =	vshll.u32 v3, $0x3  }
0x22b: {  	v3 =	vand.u32 $0x7, v3;
	v4 =	vand.u32 $0xFFFFFFC0, v51  }
0x22c: {  	v3 =	vor.u32 v3, v4  }
0x22d: {  	v4 =	vperm.xlane v3, v0;
	_ =	sdelay $0x1  }
0x22e: {  	v4 =	vadd.s32 v1, v4;
	_ =	sdelay $0x4  }
0x22f: {  	[tilespmem:s24], [sflag:$0x2] =	stream.indirect_vreg.gather [hbm4b:s2+s3], $0x80, v4, vm0, $0xb8;
	[tilespmem:$0x18200] =	vst v63  }
0x230: {  	s26 =	simm.s32 $0x4A00;
	v3 =	vperm.xlane v3, v2  }
0x231: {  	[tilespmem:s26], [sflag:$0x2] =	stream.indirect_vreg.gather [hbm4b:s5+s3], $0x80, v4, vm0, $0xb8;
	[tilespmem:$0x18200] =	vst v63  }
0x232: {  	s19 =	simm.s32 $0x5200;
	v3 =	vadd.s32 v1, v3  }
0x233: {  	[tilespmem:s19], [sflag:$0x2] =	stream.indirect_vreg.gather [hbm4b:s6+s3], $0x80, v4, vm0, $0xb8;
	[tilespmem:$0x18200] =	vst v63  }
0x234: {  	s23 =	simm.s32 $0x5A00  }
0x235: {  	[tilespmem:s23], [sflag:$0x2] =	stream.indirect_vreg.gather [hbm4b:s7+s3], $0x80, v4, vm0, $0xb8;
	[tilespmem:$0x18200] =	vst v63  }
0x236: {  	s24 =	simm.s32 $0x6200  }
0x237: {  	[tilespmem:s24], [sflag:$0x2] =	stream.indirect_vreg.gather [hbm4b:s2+s3], $0x80, v3, vm0, $0xb8;
	[tilespmem:$0x18200] =	vst v63  }
0x238: {  	s26 =	simm.s32 $0x6A00  }
0x239: {  	[tilespmem:s26], [sflag:$0x2] =	stream.indirect_vreg.gather [hbm4b:s5+s3], $0x80, v3, vm0, $0xb8;
	[tilespmem:$0x18200] =	vst v63  }
0x23a: {  	s19 =	simm.s32 $0x7200  }
0x23b: {  	[tilespmem:s19], [sflag:$0x2] =	stream.indirect_vreg.gather [hbm4b:s6+s3], $0x80, v3, vm0, $0xb8;
	[tilespmem:$0x18200] =	vst v63  }
0x23c: {  	s23 =	simm.s32 $0x7A00  }
0x23d: {  	[tilespmem:s23], [sflag:$0x2] =	stream.indirect_vreg.gather [hbm4b:s7+s3], $0x80, v3, vm0, $0xb8;
	[tilespmem:$0x18200] =	vst v63  }
0x23e: {  	_ =	swait.ge [sflag:s21], $0x4000  }
0x23f: {  	[sflag:s21] =	ssyncset.done $0x0  }
0x240: {  	s4 =	simm.s32 $0x8200;
	s24 =	rddreg [dreg:$0x12];
	[sflag:s21] =	ssyncadd.s32 $0xFFFFC000  }
0x241: {  	[hbm4b:s24+s3] =	stream.linear.scatter [tilespmem:s4], [sflag:$0x9], $0x4000, $0x38;
	[tilespmem:$0x18200] =	vst v63  }
0x242: {  	_ =	swait.ge [sflag:s11], $0x4000  }
0x243: {  	[sflag:s11] =	ssyncset.done $0x0  }
0x244: {  	[sflag:s11] =	ssyncadd.s32 $0xFFFFC000  }
0x245: {  	v3 =	vld [tilespmem:$0x140];
	_ =	sdelay $0x4  }
0x246: {  	v52 =	vshll.u32 v3, $0x3  }
0x247: {  	v3 =	vand.u32 $0x7, v3;
	v4 =	vand.u32 $0xFFFFFFC0, v52  }
0x248: {  	v3 =	vor.u32 v3, v4  }
0x249: {  	v4 =	vperm.xlane v3, v0;
	_ =	sdelay $0x1  }
0x24a: {  	v4 =	vadd.s32 v1, v4;
	_ =	sdelay $0x4  }
0x24b: {  	[tilespmem:s4], [sflag:$0x3] =	stream.indirect_vreg.gather [hbm4b:s2+s3], $0x80, v4, vm0, $0xb8;
	[tilespmem:$0x18200] =	vst v63  }
0x24c: {  	s26 =	simm.s32 $0x8A00;
	v3 =	vperm.xlane v3, v2  }
0x24d: {  	[tilespmem:s26], [sflag:$0x3] =	stream.indirect_vreg.gather [hbm4b:s5+s3], $0x80, v4, vm0, $0xb8;
	[tilespmem:$0x18200] =	vst v63  }
0x24e: {  	s9 =	simm.s32 $0x9200;
	v3 =	vadd.s32 v1, v3  }
0x24f: {  	[tilespmem:s9], [sflag:$0x3] =	stream.indirect_vreg.gather [hbm4b:s6+s3], $0x80, v4, vm0, $0xb8;
	[tilespmem:$0x18200] =	vst v63  }
0x250: {  	s19 =	simm.s32 $0x9A00  }
0x251: {  	[tilespmem:s19], [sflag:$0x3] =	stream.indirect_vreg.gather [hbm4b:s7+s3], $0x80, v4, vm0, $0xb8;
	[tilespmem:$0x18200] =	vst v63  }
0x252: {  	s23 =	simm.s32 $0xA200  }
0x253: {  	[tilespmem:s23], [sflag:$0x3] =	stream.indirect_vreg.gather [hbm4b:s2+s3], $0x80, v3, vm0, $0xb8;
	[tilespmem:$0x18200] =	vst v63  }
0x254: {  	s4 =	simm.s32 $0xAA00  }
0x255: {  	[tilespmem:s4], [sflag:$0x3] =	stream.indirect_vreg.gather [hbm4b:s5+s3], $0x80, v3, vm0, $0xb8;
	[tilespmem:$0x18200] =	vst v63  }
0x256: {  	s23 =	simm.s32 $0xB200  }
0x257: {  	[tilespmem:s23], [sflag:$0x3] =	stream.indirect_vreg.gather [hbm4b:s6+s3], $0x80, v3, vm0, $0xb8;
	[tilespmem:$0x18200] =	vst v63  }
0x258: {  	s9 =	simm.s32 $0xBA00  }
0x259: {  	[tilespmem:s9], [sflag:$0x3] =	stream.indirect_vreg.gather [hbm4b:s7+s3], $0x80, v3, vm0, $0xb8;
	[tilespmem:$0x18200] =	vst v63  }
0x25a: {  	_ =	swait.ge [sflag:s12], $0x4000  }
0x25b: {  	[sflag:s12] =	ssyncset.done $0x0  }
0x25c: {  	s18 =	simm.s32 $0xC200;
	s24 =	rddreg [dreg:$0x13];
	[sflag:s12] =	ssyncadd.s32 $0xFFFFC000  }
0x25d: {  	[hbm4b:s24+s3] =	stream.linear.scatter [tilespmem:s18], [sflag:$0xA], $0x4000, $0x38;
	[tilespmem:$0x18200] =	vst v63  }
0x25e: {  	_ =	swait.ge [sflag:s13], $0x4000  }
0x25f: {  	[sflag:s13] =	ssyncset.done $0x0  }
0x260: {  	[sflag:s13] =	ssyncadd.s32 $0xFFFFC000  }
0x261: {  	v3 =	vld [tilespmem:$0x150];
	_ =	sdelay $0x4  }
0x262: {  	v53 =	vshll.u32 v3, $0x3  }
0x263: {  	v3 =	vand.u32 $0x7, v3;
	v4 =	vand.u32 $0xFFFFFFC0, v53  }
0x264: {  	v3 =	vor.u32 v3, v4  }
0x265: {  	v4 =	vperm.xlane v3, v0;
	_ =	sdelay $0x1  }
0x266: {  	v4 =	vadd.s32 v1, v4;
	_ =	sdelay $0x4  }
0x267: {  	[tilespmem:s18], [sflag:$0x4] =	stream.indirect_vreg.gather [hbm4b:s2+s3], $0x80, v4, vm0, $0xb8;
	[tilespmem:$0x18200] =	vst v63  }
0x268: {  	v3 =	vperm.xlane v3, v2;
	s18 =	simm.s32 $0xCA00  }
0x269: {  	[tilespmem:s18], [sflag:$0x4] =	stream.indirect_vreg.gather [hbm4b:s5+s3], $0x80, v4, vm0, $0xb8;
	[tilespmem:$0x18200] =	vst v63  }
0x26a: {  	s24 =	simm.s32 $0xD200;
	v3 =	vadd.s32 v1, v3  }
0x26b: {  	[tilespmem:s24], [sflag:$0x4] =	stream.indirect_vreg.gather [hbm4b:s6+s3], $0x80, v4, vm0, $0xb8;
	[tilespmem:$0x18200] =	vst v63  }
0x26c: {  	s18 =	simm.s32 $0xDA00  }
0x26d: {  	[tilespmem:s18], [sflag:$0x4] =	stream.indirect_vreg.gather [hbm4b:s7+s3], $0x80, v4, vm0, $0xb8;
	[tilespmem:$0x18200] =	vst v63  }
0x26e: {  	s24 =	simm.s32 $0xE200  }
0x26f: {  	[tilespmem:s24], [sflag:$0x4] =	stream.indirect_vreg.gather [hbm4b:s2+s3], $0x80, v3, vm0, $0xb8;
	[tilespmem:$0x18200] =	vst v63  }
0x270: {  	s18 =	simm.s32 $0xEA00  }
0x271: {  	[tilespmem:s18], [sflag:$0x4] =	stream.indirect_vreg.gather [hbm4b:s5+s3], $0x80, v3, vm0, $0xb8;
	[tilespmem:$0x18200] =	vst v63  }
0x272: {  	s24 =	simm.s32 $0xF200  }
0x273: {  	[tilespmem:s24], [sflag:$0x4] =	stream.indirect_vreg.gather [hbm4b:s6+s3], $0x80, v3, vm0, $0xb8;
	[tilespmem:$0x18200] =	vst v63  }
0x274: {  	s18 =	simm.s32 $0xFA00  }
0x275: {  	[tilespmem:s18], [sflag:$0x4] =	stream.indirect_vreg.gather [hbm4b:s7+s3], $0x80, v3, vm0, $0xb8;
	[tilespmem:$0x18200] =	vst v63  }
0x276: {  	_ =	swait.ge [sflag:s14], $0x4000  }
0x277: {  	[sflag:s14] =	ssyncset.done $0x0  }
0x278: {  	s0 =	simm.s32 $0x10200;
	s24 =	rddreg [dreg:$0x14];
	[sflag:s14] =	ssyncadd.s32 $0xFFFFC000  }
0x279: {  	[hbm4b:s24+s3] =	stream.linear.scatter [tilespmem:s0], [sflag:$0xB], $0x4000, $0x38;
	[tilespmem:$0x18200] =	vst v63  }
0x27a: {  	_ =	swait.ge [sflag:s15], $0x4000  }
0x27b: {  	[sflag:s15] =	ssyncset.done $0x0  }
0x27c: {  	[sflag:s15] =	ssyncadd.s32 $0xFFFFC000  }
0x27d: {  	v3 =	vld [tilespmem:$0x160];
	_ =	sdelay $0x4  }
0x27e: {  	v54 =	vshll.u32 v3, $0x3  }
0x27f: {  	v3 =	vand.u32 $0x7, v3;
	v4 =	vand.u32 $0xFFFFFFC0, v54  }
0x280: {  	v3 =	vor.u32 v3, v4  }
0x281: {  	v4 =	vperm.xlane v3, v0;
	_ =	sdelay $0x1  }
0x282: {  	v4 =	vadd.s32 v1, v4;
	_ =	sdelay $0x4  }
0x283: {  	[tilespmem:s0], [sflag:$0x5] =	stream.indirect_vreg.gather [hbm4b:s2+s3], $0x80, v4, vm0, $0xb8;
	[tilespmem:$0x18200] =	vst v63  }
0x284: {  	s18 =	simm.s32 $0x10A00;
	v3 =	vperm.xlane v3, v2  }
0x285: {  	[tilespmem:s18], [sflag:$0x5] =	stream.indirect_vreg.gather [hbm4b:s5+s3], $0x80, v4, vm0, $0xb8;
	[tilespmem:$0x18200] =	vst v63  }
0x286: {  	s24 =	simm.s32 $0x11200;
	v3 =	vadd.s32 v1, v3  }
0x287: {  	[tilespmem:s24], [sflag:$0x5] =	stream.indirect_vreg.gather [hbm4b:s6+s3], $0x80, v4, vm0, $0xb8;
	[tilespmem:$0x18200] =	vst v63  }
0x288: {  	s25 =	simm.s32 $0x11A00  }
0x289: {  	[tilespmem:s25], [sflag:$0x5] =	stream.indirect_vreg.gather [hbm4b:s7+s3], $0x80, v4, vm0, $0xb8;
	[tilespmem:$0x18200] =	vst v63  }
0x28a: {  	s28 =	simm.s32 $0x12200  }
0x28b: {  	[tilespmem:s28], [sflag:$0x5] =	stream.indirect_vreg.gather [hbm4b:s2+s3], $0x80, v3, vm0, $0xb8;
	[tilespmem:$0x18200] =	vst v63  }
0x28c: {  	s30 =	simm.s32 $0x12A00  }
0x28d: {  	[tilespmem:s30], [sflag:$0x5] =	stream.indirect_vreg.gather [hbm4b:s5+s3], $0x80, v3, vm0, $0xb8;
	[tilespmem:$0x18200] =	vst v63  }
0x28e: {  	s18 =	simm.s32 $0x13200  }
0x28f: {  	[tilespmem:s18], [sflag:$0x5] =	stream.indirect_vreg.gather [hbm4b:s6+s3], $0x80, v3, vm0, $0xb8;
	[tilespmem:$0x18200] =	vst v63  }
0x290: {  	s28 =	simm.s32 $0x13A00  }
0x291: {  	[tilespmem:s28], [sflag:$0x5] =	stream.indirect_vreg.gather [hbm4b:s7+s3], $0x80, v3, vm0, $0xb8;
	[tilespmem:$0x18200] =	vst v63  }
0x292: {  	_ =	swait.ge [sflag:s16], $0x4000  }
0x293: {  	[sflag:s16] =	ssyncset.done $0x0  }
0x294: {  	s22 =	simm.s32 $0x14200;
	s18 =	rddreg [dreg:$0x15];
	[sflag:s16] =	ssyncadd.s32 $0xFFFFC000  }
0x295: {  	[hbm4b:s18+s3] =	stream.linear.scatter [tilespmem:s22], [sflag:$0xC], $0x4000, $0x38;
	[tilespmem:$0x18200] =	vst v63  }
0x296: {  	_ =	swait.ge [sflag:s17], $0x4000  }
0x297: {  	[sflag:s17] =	ssyncset.done $0x0  }
0x298: {  	[sflag:s17] =	ssyncadd.s32 $0xFFFFC000  }
0x299: {  	v3 =	vld [tilespmem:$0x170];
	_ =	sdelay $0x4  }
0x29a: {  	v55 =	vshll.u32 v3, $0x3  }
0x29b: {  	v3 =	vand.u32 $0x7, v3;
	v4 =	vand.u32 $0xFFFFFFC0, v55  }
0x29c: {  	v3 =	vor.u32 v3, v4  }
0x29d: {  	v4 =	vperm.xlane v3, v0;
	_ =	sdelay $0x1  }
0x29e: {  	v4 =	vadd.s32 v1, v4;
	_ =	sdelay $0x4  }
0x29f: {  	[tilespmem:s22], [sflag:$0x6] =	stream.indirect_vreg.gather [hbm4b:s2+s3], $0x80, v4, vm0, $0xb8;
	[tilespmem:$0x18200] =	vst v63  }
0x2a0: {  	s28 =	simm.s32 $0x14A00;
	v3 =	vperm.xlane v3, v2  }
0x2a1: {  	[tilespmem:s28], [sflag:$0x6] =	stream.indirect_vreg.gather [hbm4b:s5+s3], $0x80, v4, vm0, $0xb8;
	[tilespmem:$0x18200] =	vst v63  }
0x2a2: {  	s19 =	simm.s32 $0x15200;
	v3 =	vadd.s32 v1, v3  }
0x2a3: {  	[tilespmem:s19], [sflag:$0x6] =	stream.indirect_vreg.gather [hbm4b:s6+s3], $0x80, v4, vm0, $0xb8;
	[tilespmem:$0x18200] =	vst v63  }
0x2a4: {  	s22 =	simm.s32 $0x15A00  }
0x2a5: {  	[tilespmem:s22], [sflag:$0x6] =	stream.indirect_vreg.gather [hbm4b:s7+s3], $0x80, v4, vm0, $0xb8;
	[tilespmem:$0x18200] =	vst v63  }
0x2a6: {  	s28 =	simm.s32 $0x16200  }
0x2a7: {  	[tilespmem:s28], [sflag:$0x6] =	stream.indirect_vreg.gather [hbm4b:s2+s3], $0x80, v3, vm0, $0xb8;
	[tilespmem:$0x18200] =	vst v63  }
0x2a8: {  	s19 =	simm.s32 $0x16A00  }
0x2a9: {  	[tilespmem:s19], [sflag:$0x6] =	stream.indirect_vreg.gather [hbm4b:s5+s3], $0x80, v3, vm0, $0xb8;
	[tilespmem:$0x18200] =	vst v63  }
0x2aa: {  	s22 =	simm.s32 $0x17200  }
0x2ab: {  	[tilespmem:s22], [sflag:$0x6] =	stream.indirect_vreg.gather [hbm4b:s6+s3], $0x80, v3, vm0, $0xb8;
	[tilespmem:$0x18200] =	vst v63  }
0x2ac: {  	s28 =	simm.s32 $0x17A00  }
0x2ad: {  	[tilespmem:s28], [sflag:$0x6] =	stream.indirect_vreg.gather [hbm4b:s7+s3], $0x80, v3, vm0, $0xb8;
	[tilespmem:$0x18200] =	vst v63  }
0x2ae: {  	_ =	swait.ge [sflag:s1], $0x4000  }
0x2af: {  	[sflag:s1] =	ssyncset.done $0x0  }
0x2b0: {  	s18 =	rddreg [dreg:$0x16];
	[sflag:s1] =	ssyncadd.s32 $0xFFFFC000  }
0x2b1: {  	[hbm4b:s18+s3] =	stream.linear.scatter [tilespmem:s8], [sflag:$0x7], $0x4000, $0x38;
	[tilespmem:$0x18200] =	vst v63  }
0x2b2: {  	_ =	swait.ge [sflag:s10], $0x4000  }
0x2b3: {  	[sflag:s10] =	ssyncset.done $0x0  }
0x2b4: {  	[sflag:s10] =	ssyncadd.s32 $0xFFFFC000  }
0x2b5: {  	v3 =	vld [tilespmem:$0x180];
	_ =	sdelay $0x4  }
0x2b6: {  	v56 =	vshll.u32 v3, $0x3  }
0x2b7: {  	v3 =	vand.u32 $0x7, v3;
	v4 =	vand.u32 $0xFFFFFFC0, v56  }
0x2b8: {  	v3 =	vor.u32 v3, v4  }
0x2b9: {  	v4 =	vperm.xlane v3, v0;
	_ =	sdelay $0x1  }
0x2ba: {  	v4 =	vadd.s32 v1, v4;
	_ =	sdelay $0x4  }
0x2bb: {  	[tilespmem:s8], [sflag:$0x1] =	stream.indirect_vreg.gather [hbm4b:s2+s3], $0x80, v4, vm0, $0xb8;
	[tilespmem:$0x18200] =	vst v63  }
0x2bc: {  	s19 =	simm.s32 $0xA00;
	v3 =	vperm.xlane v3, v2  }
0x2bd: {  	[tilespmem:s19], [sflag:$0x1] =	stream.indirect_vreg.gather [hbm4b:s5+s3], $0x80, v4, vm0, $0xb8;
	[tilespmem:$0x18200] =	vst v63  }
0x2be: {  	s22 =	simm.s32 $0x1200;
	v3 =	vadd.s32 v1, v3  }
0x2bf: {  	[tilespmem:s22], [sflag:$0x1] =	stream.indirect_vreg.gather [hbm4b:s6+s3], $0x80, v4, vm0, $0xb8;
	[tilespmem:$0x18200] =	vst v63  }
0x2c0: {  	s28 =	simm.s32 $0x1A00  }
0x2c1: {  	[tilespmem:s28], [sflag:$0x1] =	stream.indirect_vreg.gather [hbm4b:s7+s3], $0x80, v4, vm0, $0xb8;
	[tilespmem:$0x18200] =	vst v63  }
0x2c2: {  	s19 =	simm.s32 $0x2200  }
0x2c3: {  	[tilespmem:s19], [sflag:$0x1] =	stream.indirect_vreg.gather [hbm4b:s2+s3], $0x80, v3, vm0, $0xb8;
	[tilespmem:$0x18200] =	vst v63  }
0x2c4: {  	s22 =	simm.s32 $0x2A00  }
0x2c5: {  	[tilespmem:s22], [sflag:$0x1] =	stream.indirect_vreg.gather [hbm4b:s5+s3], $0x80, v3, vm0, $0xb8;
	[tilespmem:$0x18200] =	vst v63  }
0x2c6: {  	s28 =	simm.s32 $0x3200  }
0x2c7: {  	[tilespmem:s28], [sflag:$0x1] =	stream.indirect_vreg.gather [hbm4b:s6+s3], $0x80, v3, vm0, $0xb8;
	[tilespmem:$0x18200] =	vst v63  }
0x2c8: {  	s19 =	simm.s32 $0x3A00  }
0x2c9: {  	[tilespmem:s19], [sflag:$0x1] =	stream.indirect_vreg.gather [hbm4b:s7+s3], $0x80, v3, vm0, $0xb8;
	[tilespmem:$0x18200] =	vst v63  }
0x2ca: {  	_ =	swait.ge [sflag:s29], $0x4000  }
0x2cb: {  	[sflag:s29] =	ssyncset.done $0x0  }
0x2cc: {  	s20 =	simm.s32 $0x4200;
	s22 =	rddreg [dreg:$0x17];
	[sflag:s29] =	ssyncadd.s32 $0xFFFFC000  }
0x2cd: {  	[hbm4b:s22+s3] =	stream.linear.scatter [tilespmem:s20], [sflag:$0x8], $0x4000, $0x38;
	[tilespmem:$0x18200] =	vst v63  }
0x2ce: {  	_ =	swait.ge [sflag:s31], $0x4000  }
0x2cf: {  	[sflag:s31] =	ssyncset.done $0x0  }
0x2d0: {  	[sflag:s31] =	ssyncadd.s32 $0xFFFFC000  }
0x2d1: {  	v3 =	vld [tilespmem:$0x190];
	_ =	sdelay $0x4  }
0x2d2: {  	v57 =	vshll.u32 v3, $0x3  }
0x2d3: {  	v3 =	vand.u32 $0x7, v3;
	v4 =	vand.u32 $0xFFFFFFC0, v57  }
0x2d4: {  	v3 =	vor.u32 v3, v4  }
0x2d5: {  	v4 =	vperm.xlane v3, v0;
	_ =	sdelay $0x1  }
0x2d6: {  	v4 =	vadd.s32 v1, v4;
	_ =	sdelay $0x4  }
0x2d7: {  	[tilespmem:s20], [sflag:$0x2] =	stream.indirect_vreg.gather [hbm4b:s2+s3], $0x80, v4, vm0, $0xb8;
	[tilespmem:$0x18200] =	vst v63  }
0x2d8: {  	s28 =	simm.s32 $0x4A00;
	v3 =	vperm.xlane v3, v2  }
0x2d9: {  	[tilespmem:s28], [sflag:$0x2] =	stream.indirect_vreg.gather [hbm4b:s5+s3], $0x80, v4, vm0, $0xb8;
	[tilespmem:$0x18200] =	vst v63  }
0x2da: {  	s19 =	simm.s32 $0x5200;
	v3 =	vadd.s32 v1, v3  }
0x2db: {  	[tilespmem:s19], [sflag:$0x2] =	stream.indirect_vreg.gather [hbm4b:s6+s3], $0x80, v4, vm0, $0xb8;
	[tilespmem:$0x18200] =	vst v63  }
0x2dc: {  	s20 =	simm.s32 $0x5A00  }
0x2dd: {  	[tilespmem:s20], [sflag:$0x2] =	stream.indirect_vreg.gather [hbm4b:s7+s3], $0x80, v4, vm0, $0xb8;
	[tilespmem:$0x18200] =	vst v63  }
0x2de: {  	s22 =	simm.s32 $0x6200  }
0x2df: {  	[tilespmem:s22], [sflag:$0x2] =	stream.indirect_vreg.gather [hbm4b:s2+s3], $0x80, v3, vm0, $0xb8;
	[tilespmem:$0x18200] =	vst v63  }
0x2e0: {  	s28 =	simm.s32 $0x6A00  }
0x2e1: {  	[tilespmem:s28], [sflag:$0x2] =	stream.indirect_vreg.gather [hbm4b:s5+s3], $0x80, v3, vm0, $0xb8;
	[tilespmem:$0x18200] =	vst v63  }
0x2e2: {  	s19 =	simm.s32 $0x7200  }
0x2e3: {  	[tilespmem:s19], [sflag:$0x2] =	stream.indirect_vreg.gather [hbm4b:s6+s3], $0x80, v3, vm0, $0xb8;
	[tilespmem:$0x18200] =	vst v63  }
0x2e4: {  	s20 =	simm.s32 $0x7A00  }
0x2e5: {  	[tilespmem:s20], [sflag:$0x2] =	stream.indirect_vreg.gather [hbm4b:s7+s3], $0x80, v3, vm0, $0xb8;
	[tilespmem:$0x18200] =	vst v63  }
0x2e6: {  	_ =	swait.ge [sflag:s21], $0x4000  }
0x2e7: {  	[sflag:s21] =	ssyncset.done $0x0  }
0x2e8: {  	s18 =	simm.s32 $0x8200;
	s28 =	rddreg [dreg:$0x18];
	[sflag:s21] =	ssyncadd.s32 $0xFFFFC000  }
0x2e9: {  	[hbm4b:s28+s3] =	stream.linear.scatter [tilespmem:s18], [sflag:$0x9], $0x4000, $0x38;
	[tilespmem:$0x18200] =	vst v63  }
0x2ea: {  	_ =	swait.ge [sflag:s11], $0x4000  }
0x2eb: {  	[sflag:s11] =	ssyncset.done $0x0  }
0x2ec: {  	[sflag:s11] =	ssyncadd.s32 $0xFFFFC000  }
0x2ed: {  	v3 =	vld [tilespmem:$0x1A0];
	_ =	sdelay $0x4  }
0x2ee: {  	v58 =	vshll.u32 v3, $0x3  }
0x2ef: {  	v3 =	vand.u32 $0x7, v3;
	v4 =	vand.u32 $0xFFFFFFC0, v58  }
0x2f0: {  	v3 =	vor.u32 v3, v4  }
0x2f1: {  	v4 =	vperm.xlane v3, v0;
	_ =	sdelay $0x1  }
0x2f2: {  	v4 =	vadd.s32 v1, v4;
	_ =	sdelay $0x4  }
0x2f3: {  	[tilespmem:s18], [sflag:$0x3] =	stream.indirect_vreg.gather [hbm4b:s2+s3], $0x80, v4, vm0, $0xb8;
	[tilespmem:$0x18200] =	vst v63  }
0x2f4: {  	s19 =	simm.s32 $0x8A00;
	v3 =	vperm.xlane v3, v2  }
0x2f5: {  	[tilespmem:s19], [sflag:$0x3] =	stream.indirect_vreg.gather [hbm4b:s5+s3], $0x80, v4, vm0, $0xb8;
	[tilespmem:$0x18200] =	vst v63  }
0x2f6: {  	s26 =	simm.s32 $0x9200;
	v3 =	vadd.s32 v1, v3  }
0x2f7: {  	[tilespmem:s26], [sflag:$0x3] =	stream.indirect_vreg.gather [hbm4b:s6+s3], $0x80, v4, vm0, $0xb8;
	[tilespmem:$0x18200] =	vst v63  }
0x2f8: {  	s26 =	simm.s32 $0x9A00  }
0x2f9: {  	[tilespmem:s26], [sflag:$0x3] =	stream.indirect_vreg.gather [hbm4b:s7+s3], $0x80, v4, vm0, $0xb8;
	[tilespmem:$0x18200] =	vst v63  }
0x2fa: {  	s28 =	simm.s32 $0xA200  }
0x2fb: {  	[tilespmem:s28], [sflag:$0x3] =	stream.indirect_vreg.gather [hbm4b:s2+s3], $0x80, v3, vm0, $0xb8;
	[tilespmem:$0x18200] =	vst v63  }
0x2fc: {  	_ = 	snop  }
0x2fd: {  	[tilespmem:s4], [sflag:$0x3] =	stream.indirect_vreg.gather [hbm4b:s5+s3], $0x80, v3, vm0, $0xb8;
	[tilespmem:$0x18200] =	vst v63  }
0x2fe: {  	_ = 	snop  }
0x2ff: {  	[tilespmem:s23], [sflag:$0x3] =	stream.indirect_vreg.gather [hbm4b:s6+s3], $0x80, v3, vm0, $0xb8;
	[tilespmem:$0x18200] =	vst v63  }
0x300: {  	_ = 	snop  }
0x301: {  	[tilespmem:s9], [sflag:$0x3] =	stream.indirect_vreg.gather [hbm4b:s7+s3], $0x80, v3, vm0, $0xb8;
	[tilespmem:$0x18200] =	vst v63  }
0x302: {  	_ =	swait.ge [sflag:s12], $0x4000  }
0x303: {  	[sflag:s12] =	ssyncset.done $0x0  }
0x304: {  	s18 =	simm.s32 $0xC200;
	s9 =	rddreg [dreg:$0x19];
	[sflag:s12] =	ssyncadd.s32 $0xFFFFC000  }
0x305: {  	[hbm4b:s9+s3] =	stream.linear.scatter [tilespmem:s18], [sflag:$0xA], $0x4000, $0x38;
	[tilespmem:$0x18200] =	vst v63  }
0x306: {  	_ =	swait.ge [sflag:s13], $0x4000  }
0x307: {  	[sflag:s13] =	ssyncset.done $0x0  }
0x308: {  	[sflag:s13] =	ssyncadd.s32 $0xFFFFC000  }
0x309: {  	v3 =	vld [tilespmem:$0x1B0];
	_ =	sdelay $0x4  }
0x30a: {  	v59 =	vshll.u32 v3, $0x3  }
0x30b: {  	v3 =	vand.u32 $0x7, v3;
	v4 =	vand.u32 $0xFFFFFFC0, v59  }
0x30c: {  	v3 =	vor.u32 v3, v4  }
0x30d: {  	v4 =	vperm.xlane v3, v0;
	_ =	sdelay $0x1  }
0x30e: {  	v4 =	vadd.s32 v1, v4;
	_ =	sdelay $0x4  }
0x30f: {  	[tilespmem:s18], [sflag:$0x4] =	stream.indirect_vreg.gather [hbm4b:s2+s3], $0x80, v4, vm0, $0xb8;
	[tilespmem:$0x18200] =	vst v63  }
0x310: {  	s23 =	simm.s32 $0xCA00;
	v3 =	vperm.xlane v3, v2  }
0x311: {  	[tilespmem:s23], [sflag:$0x4] =	stream.indirect_vreg.gather [hbm4b:s5+s3], $0x80, v4, vm0, $0xb8;
	[tilespmem:$0x18200] =	vst v63  }
0x312: {  	s28 =	simm.s32 $0xD200;
	v3 =	vadd.s32 v1, v3  }
0x313: {  	[tilespmem:s28], [sflag:$0x4] =	stream.indirect_vreg.gather [hbm4b:s6+s3], $0x80, v4, vm0, $0xb8;
	[tilespmem:$0x18200] =	vst v63  }
0x314: {  	s9 =	simm.s32 $0xDA00  }
0x315: {  	[tilespmem:s9], [sflag:$0x4] =	stream.indirect_vreg.gather [hbm4b:s7+s3], $0x80, v4, vm0, $0xb8;
	[tilespmem:$0x18200] =	vst v63  }
0x316: {  	s18 =	simm.s32 $0xE200  }
0x317: {  	[tilespmem:s18], [sflag:$0x4] =	stream.indirect_vreg.gather [hbm4b:s2+s3], $0x80, v3, vm0, $0xb8;
	[tilespmem:$0x18200] =	vst v63  }
0x318: {  	s19 =	simm.s32 $0xEA00  }
0x319: {  	[tilespmem:s19], [sflag:$0x4] =	stream.indirect_vreg.gather [hbm4b:s5+s3], $0x80, v3, vm0, $0xb8;
	[tilespmem:$0x18200] =	vst v63  }
0x31a: {  	s23 =	simm.s32 $0xF200  }
0x31b: {  	[tilespmem:s23], [sflag:$0x4] =	stream.indirect_vreg.gather [hbm4b:s6+s3], $0x80, v3, vm0, $0xb8;
	[tilespmem:$0x18200] =	vst v63  }
0x31c: {  	s28 =	simm.s32 $0xFA00  }
0x31d: {  	[tilespmem:s28], [sflag:$0x4] =	stream.indirect_vreg.gather [hbm4b:s7+s3], $0x80, v3, vm0, $0xb8;
	[tilespmem:$0x18200] =	vst v63  }
0x31e: {  	_ =	swait.ge [sflag:s14], $0x4000  }
0x31f: {  	[sflag:s14] =	ssyncset.done $0x0  }
0x320: {  	s18 =	simm.s32 $0x10200;
	s9 =	rddreg [dreg:$0x1a];
	[sflag:s14] =	ssyncadd.s32 $0xFFFFC000  }
0x321: {  	[hbm4b:s9+s3] =	stream.linear.scatter [tilespmem:s18], [sflag:$0xB], $0x4000, $0x38;
	[tilespmem:$0x18200] =	vst v63  }
0x322: {  	_ =	swait.ge [sflag:s15], $0x4000  }
0x323: {  	[sflag:s15] =	ssyncset.done $0x0  }
0x324: {  	[sflag:s15] =	ssyncadd.s32 $0xFFFFC000  }
0x325: {  	v3 =	vld [tilespmem:$0x1C0];
	_ =	sdelay $0x4  }
0x326: {  	v60 =	vshll.u32 v3, $0x3  }
0x327: {  	v3 =	vand.u32 $0x7, v3;
	v4 =	vand.u32 $0xFFFFFFC0, v60  }
0x328: {  	v3 =	vor.u32 v3, v4  }
0x329: {  	v4 =	vperm.xlane v3, v0;
	_ =	sdelay $0x1  }
0x32a: {  	v4 =	vadd.s32 v1, v4;
	_ =	sdelay $0x4  }
0x32b: {  	[tilespmem:s18], [sflag:$0x5] =	stream.indirect_vreg.gather [hbm4b:s2+s3], $0x80, v4, vm0, $0xb8;
	[tilespmem:$0x18200] =	vst v63  }
0x32c: {  	s19 =	simm.s32 $0x10A00;
	v3 =	vperm.xlane v3, v2  }
0x32d: {  	[tilespmem:s19], [sflag:$0x5] =	stream.indirect_vreg.gather [hbm4b:s5+s3], $0x80, v4, vm0, $0xb8;
	[tilespmem:$0x18200] =	vst v63  }
0x32e: {  	s0 =	simm.s32 $0x11200;
	v3 =	vadd.s32 v1, v3  }
0x32f: {  	[tilespmem:s0], [sflag:$0x5] =	stream.indirect_vreg.gather [hbm4b:s6+s3], $0x80, v4, vm0, $0xb8;
	[tilespmem:$0x18200] =	vst v63  }
0x330: {  	s23 =	simm.s32 $0x11A00  }
0x331: {  	[tilespmem:s23], [sflag:$0x5] =	stream.indirect_vreg.gather [hbm4b:s7+s3], $0x80, v4, vm0, $0xb8;
	[tilespmem:$0x18200] =	vst v63  }
0x332: {  	s25 =	simm.s32 $0x12200  }
0x333: {  	[tilespmem:s25], [sflag:$0x5] =	stream.indirect_vreg.gather [hbm4b:s2+s3], $0x80, v3, vm0, $0xb8;
	[tilespmem:$0x18200] =	vst v63  }
0x334: {  	s24 =	simm.s32 $0x12A00  }
0x335: {  	[tilespmem:s24], [sflag:$0x5] =	stream.indirect_vreg.gather [hbm4b:s5+s3], $0x80, v3, vm0, $0xb8;
	[tilespmem:$0x18200] =	vst v63  }
0x336: {  	s30 =	simm.s32 $0x13200  }
0x337: {  	[tilespmem:s30], [sflag:$0x5] =	stream.indirect_vreg.gather [hbm4b:s6+s3], $0x80, v3, vm0, $0xb8;
	[tilespmem:$0x18200] =	vst v63  }
0x338: {  	s30 =	simm.s32 $0x13A00  }
0x339: {  	[tilespmem:s30], [sflag:$0x5] =	stream.indirect_vreg.gather [hbm4b:s7+s3], $0x80, v3, vm0, $0xb8;
	[tilespmem:$0x18200] =	vst v63  }
0x33a: {  	s4 =	sld [smem:$0x7F7];
	_ =	swait.ge [sflag:s16], $0x4000  }
0x33b: {  	[sflag:s16] =	ssyncset.done $0x0  }
0x33c: {  	s18 =	simm.s32 $0x14200;
	s9 =	rddreg [dreg:$0x1b];
	[sflag:s16] =	ssyncadd.s32 $0xFFFFC000  }
0x33d: {  	[hbm4b:s9+s3] =	stream.linear.scatter [tilespmem:s18], [sflag:$0xC], $0x4000, $0x38;
	[tilespmem:$0x18200] =	vst v63  }
0x33e: {  	_ =	swait.ge [sflag:s17], $0x4000  }
0x33f: {  	[sflag:s17] =	ssyncset.done $0x0  }
0x340: {  	[sflag:s17] =	ssyncadd.s32 $0xFFFFC000  }
0x341: {  	v3 =	vld [tilespmem:$0x1D0];
	_ =	sdelay $0x4  }
0x342: {  	v61 =	vshll.u32 v3, $0x3  }
0x343: {  	v3 =	vand.u32 $0x7, v3;
	v4 =	vand.u32 $0xFFFFFFC0, v61  }
0x344: {  	v3 =	vor.u32 v3, v4  }
0x345: {  	v4 =	vperm.xlane v3, v0;
	_ =	sdelay $0x1  }
0x346: {  	v4 =	vadd.s32 v1, v4;
	_ =	sdelay $0x4  }
0x347: {  	[tilespmem:s18], [sflag:$0x6] =	stream.indirect_vreg.gather [hbm4b:s2+s3], $0x80, v4, vm0, $0xb8;
	[tilespmem:$0x18200] =	vst v63  }
0x348: {  	s23 =	simm.s32 $0x14A00;
	v3 =	vperm.xlane v3, v2  }
0x349: {  	[tilespmem:s23], [sflag:$0x6] =	stream.indirect_vreg.gather [hbm4b:s5+s3], $0x80, v4, vm0, $0xb8;
	[tilespmem:$0x18200] =	vst v63  }
0x34a: {  	s24 =	simm.s32 $0x15200;
	v3 =	vadd.s32 v1, v3  }
0x34b: {  	[tilespmem:s24], [sflag:$0x6] =	stream.indirect_vreg.gather [hbm4b:s6+s3], $0x80, v4, vm0, $0xb8;
	[tilespmem:$0x18200] =	vst v63  }
0x34c: {  	s25 =	simm.s32 $0x15A00  }
0x34d: {  	[tilespmem:s25], [sflag:$0x6] =	stream.indirect_vreg.gather [hbm4b:s7+s3], $0x80, v4, vm0, $0xb8;
	[tilespmem:$0x18200] =	vst v63  }
0x34e: {  	s30 =	simm.s32 $0x16200  }
0x34f: {  	[tilespmem:s30], [sflag:$0x6] =	stream.indirect_vreg.gather [hbm4b:s2+s3], $0x80, v3, vm0, $0xb8;
	[tilespmem:$0x18200] =	vst v63  }
0x350: {  	s9 =	simm.s32 $0x16A00  }
0x351: {  	[tilespmem:s9], [sflag:$0x6] =	stream.indirect_vreg.gather [hbm4b:s5+s3], $0x80, v3, vm0, $0xb8;
	[tilespmem:$0x18200] =	vst v63  }
0x352: {  	s19 =	simm.s32 $0x17200  }
0x353: {  	[tilespmem:s19], [sflag:$0x6] =	stream.indirect_vreg.gather [hbm4b:s6+s3], $0x80, v3, vm0, $0xb8;
	[tilespmem:$0x18200] =	vst v63  }
0x354: {  	s23 =	simm.s32 $0x17A00  }
0x355: {  	[tilespmem:s23], [sflag:$0x6] =	stream.indirect_vreg.gather [hbm4b:s7+s3], $0x80, v3, vm0, $0xb8;
	[tilespmem:$0x18200] =	vst v63  }
0x356: {  	_ =	swait.ge [sflag:s1], $0x4000  }
0x357: {  	[sflag:s1] =	ssyncset.done $0x0  }
0x358: {  	s24 =	rddreg [dreg:$0x1c];
	[sflag:s1] =	ssyncadd.s32 $0xFFFFC000  }
0x359: {  	[hbm4b:s24+s3] =	stream.linear.scatter [tilespmem:s8], [sflag:$0x7], $0x4000, $0x38;
	[tilespmem:$0x18200] =	vst v63  }
0x35a: {  	_ =	swait.ge [sflag:s10], $0x4000  }
0x35b: {  	[sflag:s10] =	ssyncset.done $0x0  }
0x35c: {  	[sflag:s10] =	ssyncadd.s32 $0xFFFFC000  }
0x35d: {  	v3 =	vld [tilespmem:$0x1E0];
	_ =	sdelay $0x4  }
0x35e: {  	v62 =	vshll.u32 v3, $0x3  }
0x35f: {  	v3 =	vand.u32 $0x7, v3;
	v4 =	vand.u32 $0xFFFFFFC0, v62  }
0x360: {  	v3 =	vor.u32 v3, v4  }
0x361: {  	v4 =	vperm.xlane v3, v0;
	_ =	sdelay $0x1  }
0x362: {  	v4 =	vadd.s32 v1, v4;
	_ =	sdelay $0x4  }
0x363: {  	[tilespmem:s8], [sflag:$0x1] =	stream.indirect_vreg.gather [hbm4b:s2+s3], $0x80, v4, vm0, $0xb8;
	[tilespmem:$0x18200] =	vst v63  }
0x364: {  	s25 =	simm.s32 $0xA00;
	v3 =	vperm.xlane v3, v2  }
0x365: {  	[tilespmem:s25], [sflag:$0x1] =	stream.indirect_vreg.gather [hbm4b:s5+s3], $0x80, v4, vm0, $0xb8;
	[tilespmem:$0x18200] =	vst v63  }
0x366: {  	s30 =	simm.s32 $0x1200;
	v3 =	vadd.s32 v1, v3  }
0x367: {  	[tilespmem:s30], [sflag:$0x1] =	stream.indirect_vreg.gather [hbm4b:s6+s3], $0x80, v4, vm0, $0xb8;
	[tilespmem:$0x18200] =	vst v63  }
0x368: {  	s9 =	simm.s32 $0x1A00  }
0x369: {  	[tilespmem:s9], [sflag:$0x1] =	stream.indirect_vreg.gather [hbm4b:s7+s3], $0x80, v4, vm0, $0xb8;
	[tilespmem:$0x18200] =	vst v63  }
0x36a: {  	s19 =	simm.s32 $0x2200  }
0x36b: {  	[tilespmem:s19], [sflag:$0x1] =	stream.indirect_vreg.gather [hbm4b:s2+s3], $0x80, v3, vm0, $0xb8;
	[tilespmem:$0x18200] =	vst v63  }
0x36c: {  	s23 =	simm.s32 $0x2A00  }
0x36d: {  	[tilespmem:s23], [sflag:$0x1] =	stream.indirect_vreg.gather [hbm4b:s5+s3], $0x80, v3, vm0, $0xb8;
	[tilespmem:$0x18200] =	vst v63  }
0x36e: {  	s24 =	simm.s32 $0x3200  }
0x36f: {  	[tilespmem:s24], [sflag:$0x1] =	stream.indirect_vreg.gather [hbm4b:s6+s3], $0x80, v3, vm0, $0xb8;
	[tilespmem:$0x18200] =	vst v63  }
0x370: {  	s25 =	simm.s32 $0x3A00  }
0x371: {  	[tilespmem:s25], [sflag:$0x1] =	stream.indirect_vreg.gather [hbm4b:s7+s3], $0x80, v3, vm0, $0xb8;
	[tilespmem:$0x18200] =	vst v63  }
0x372: {  	_ =	swait.ge [sflag:s29], $0x4000  }
0x373: {  	[sflag:s29] =	ssyncset.done $0x0  }
0x374: {  	s0 =	simm.s32 $0x4200;
	s30 =	rddreg [dreg:$0x1d];
	[sflag:s29] =	ssyncadd.s32 $0xFFFFC000  }
0x375: {  	[hbm4b:s30+s3] =	stream.linear.scatter [tilespmem:s0], [sflag:$0x8], $0x4000, $0x38;
	[tilespmem:$0x18200] =	vst v63  }
0x376: {  	_ =	swait.ge [sflag:s31], $0x4000  }
0x377: {  	[sflag:s31] =	ssyncset.done $0x0  }
0x378: {  	[sflag:s31] =	ssyncadd.s32 $0xFFFFC000  }
0x379: {  	v3 =	vld [tilespmem:$0x1F0];
	_ =	sdelay $0x4  }
0x37a: {  	v63 =	vshll.u32 v3, $0x3  }
0x37b: {  	v3 =	vand.u32 $0x7, v3;
	v4 =	vand.u32 $0xFFFFFFC0, v63  }
0x37c: {  	v3 =	vor.u32 v3, v4  }
0x37d: {  	v4 =	vperm.xlane v3, v0;
	_ =	sdelay $0x1  }
0x37e: {  	v4 =	vadd.s32 v1, v4;
	_ =	sdelay $0x4  }
0x37f: {  	[tilespmem:s0], [sflag:$0x2] =	stream.indirect_vreg.gather [hbm4b:s2+s3], $0x80, v4, vm0, $0xb8;
	[tilespmem:$0x18200] =	vst v63  }
0x380: {  	s23 =	simm.s32 $0x4A00;
	v3 =	vperm.xlane v3, v2  }
0x381: {  	[tilespmem:s23], [sflag:$0x2] =	stream.indirect_vreg.gather [hbm4b:s5+s3], $0x80, v4, vm0, $0xb8;
	[tilespmem:$0x18200] =	vst v63  }
0x382: {  	s24 =	simm.s32 $0x5200;
	v3 =	vadd.s32 v1, v3  }
0x383: {  	[tilespmem:s24], [sflag:$0x2] =	stream.indirect_vreg.gather [hbm4b:s6+s3], $0x80, v4, vm0, $0xb8;
	[tilespmem:$0x18200] =	vst v63  }
0x384: {  	s25 =	simm.s32 $0x5A00  }
0x385: {  	[tilespmem:s25], [sflag:$0x2] =	stream.indirect_vreg.gather [hbm4b:s7+s3], $0x80, v4, vm0, $0xb8;
	[tilespmem:$0x18200] =	vst v63  }
0x386: {  	s22 =	simm.s32 $0x6200  }
0x387: {  	[tilespmem:s22], [sflag:$0x2] =	stream.indirect_vreg.gather [hbm4b:s2+s3], $0x80, v3, vm0, $0xb8;
	[tilespmem:$0x18200] =	vst v63  }
0x388: {  	s30 =	simm.s32 $0x6A00  }
0x389: {  	[tilespmem:s30], [sflag:$0x2] =	stream.indirect_vreg.gather [hbm4b:s5+s3], $0x80, v3, vm0, $0xb8;
	[tilespmem:$0x18200] =	vst v63  }
0x38a: {  	s19 =	simm.s32 $0x7200  }
0x38b: {  	[tilespmem:s19], [sflag:$0x2] =	stream.indirect_vreg.gather [hbm4b:s6+s3], $0x80, v3, vm0, $0xb8;
	[tilespmem:$0x18200] =	vst v63  }
0x38c: {  	s22 =	simm.s32 $0x7A00  }
0x38d: {  	[tilespmem:s22], [sflag:$0x2] =	stream.indirect_vreg.gather [hbm4b:s7+s3], $0x80, v3, vm0, $0xb8;
	[tilespmem:$0x18200] =	vst v63  }
0x38e: {  	_ =	swait.ge [sflag:s21], $0x4000  }
0x38f: {  	[sflag:s21] =	ssyncset.done $0x0  }
0x390: {  	s20 =	simm.s32 $0x8200;
	s23 =	rddreg [dreg:$0x1e];
	[sflag:s21] =	ssyncadd.s32 $0xFFFFC000  }
0x391: {  	[hbm4b:s23+s3] =	stream.linear.scatter [tilespmem:s20], [sflag:$0x9], $0x4000, $0x38;
	[tilespmem:$0x18200] =	vst v63  }
0x392: {  	_ =	swait.ge [sflag:s12], $0x4000  }
0x393: {  	[sflag:s12] =	ssyncset.done $0x0  }
0x394: {  	s26 =	simm.s32 $0xC200;
	s24 =	rddreg [dreg:$0x1f];
	[sflag:s12] =	ssyncadd.s32 $0xFFFFC000  }
0x395: {  	[hbm4b:s24+s3] =	stream.linear.scatter [tilespmem:s26], [sflag:$0xA], $0x4000, $0x38;
	[tilespmem:$0x18200] =	vst v63  }
0x396: {  	_ =	swait.ge [sflag:s14], $0x4000  }
0x397: {  	s25 =	sld [smem:$0x7F8]  }
0x398: {  	[sflag:s14] =	ssyncset.done $0x0  }
0x399: {  	s28 =	simm.s32 $0x10200;
	[sflag:s14] =	ssyncadd.s32 $0xFFFFC000  }
0x39a: {  	[hbm4b:s25+s3] =	stream.linear.scatter [tilespmem:s28], [sflag:$0xB], $0x4000, $0x38;
	[tilespmem:$0x18200] =	vst v63  }
0x39b: {  	_ =	swait.ge [sflag:s16], $0x4000  }
0x39c: {  	s26 =	sld [smem:$0x7F9]  }
0x39d: {  	[sflag:s16] =	ssyncset.done $0x0  }
0x39e: {  	s18 =	simm.s32 $0x14200;
	[sflag:s16] =	ssyncadd.s32 $0xFFFFC000  }
0x39f: {  	[hbm4b:s26+s3] =	stream.linear.scatter [tilespmem:s18], [sflag:$0xC], $0x4000, $0x38;
	[tilespmem:$0x18200] =	vst v63  }
0x3a0: {  	_ =	swait.ge [sflag:s1], $0x4000  }
0x3a1: {  	s28 =	sld [smem:$0x7FA]  }
0x3a2: {  	[sflag:s1] =	ssyncset.done $0x0  }
0x3a3: {  	[sflag:s1] =	ssyncadd.s32 $0xFFFFC000  }
0x3a4: {  	[hbm4b:s28+s3] =	stream.linear.scatter [tilespmem:s8], [sflag:$0x7], $0x4000, $0x38;
	[tilespmem:$0x18200] =	vst v63  }
0x3a5: {  	_ =	swait.ge [sflag:s29], $0x4000  }
0x3a6: {  	s30 =	sld [smem:$0x7FC]  }
0x3a7: {  	[sflag:s29] =	ssyncset.done $0x0  }
0x3a8: {  	s9 =	simm.s32 $0x4200;
	[sflag:s29] =	ssyncadd.s32 $0xFFFFC000  }
0x3a9: {  	[hbm4b:s30+s3] =	stream.linear.scatter [tilespmem:s9], [sflag:$0x8], $0x4000, $0x38;
	[tilespmem:$0x18200] =	vst v63  }
0x3aa: {  	_ =	swait.ge [sflag:s11], $0x4000  }
0x3ab: {  	[sflag:s11] =	ssyncset.done $0x0  }
0x3ac: {  	[sflag:s11] =	ssyncadd.s32 $0xFFFFC000  }
0x3ad: {  	_ =	swait.ge [sflag:s13], $0x4000  }
0x3ae: {  	[sflag:s13] =	ssyncset.done $0x0  }
0x3af: {  	[sflag:s13] =	ssyncadd.s32 $0xFFFFC000  }
0x3b0: {  	_ =	swait.ge [sflag:s15], $0x4000  }
0x3b1: {  	[sflag:s15] =	ssyncset.done $0x0  }
0x3b2: {  	[sflag:s15] =	ssyncadd.s32 $0xFFFFC000  }
0x3b3: {  	_ =	swait.ge [sflag:s17], $0x4000  }
0x3b4: {  	[sflag:s17] =	ssyncset.done $0x0  }
0x3b5: {  	[sflag:s17] =	ssyncadd.s32 $0xFFFFC000  }
0x3b6: {  	p0 =	sne.s32 s4, $0x1;
	_ =	swait.ge [sflag:s10], $0x4000  }
.Ltmp0:
0x3b7: {  	[sflag:s10] =	ssyncset.done $0x0;
	(pc) =	sbr.rel @p0 .LBB2_1-.Ltmp0, $4  }
0x3b8: {  	[sflag:s10] =	ssyncadd.s32 $0xFFFFC000  }
0x3b9: {  	_ =	swait.ge [sflag:s31], $0x4000  }
0x3ba: {  	[sflag:s31] =	ssyncset.done $0x0  }
0x3bb: {  	s4 =	sadd.s32 $0xFFFFFFFF, s4;
	[sflag:s31] =	ssyncadd.s32 $0xFFFFC000  }
0x3bc: {  	_ =	sfence.sel $0x180000  }
0x3bd: {  	[bflag:$0x0] =	sbarrier.arrive $0xFFFF  }
0x3be: {  	_ =	strace $0x90000047  }
0x3bf: {  	s0 =	stileid.u32;
	[bflag:$0x2] =	sbarrier.arrive $0xFFFF  }
0x3c0: {  	p0 =	sne.s32 s0, $0x0;
	s0 =	rddreg [dreg:$0x3]  }
0x3c1: {  	s0 =	sadd.s32 @!p0 $0x100000, s0  }
0x3c2: {  	[sflag:s0] =	ssyncadd.tile.s32 @!p0 $0x1;
	_ =	shalt  }
.Lfunc_end2:
_tile_overlayer_lowered:
.L_overlay_start_2:
0x3c3: {  	(tag) =	ssettag $0x2  }
0x3c4: {  	s0 =	rddreg [dreg:$0x0];
	s2 =	stileid.u32  }
0x3c5: {  	s1 =	rddreg [dreg:$0x1];
	p0 =	sne.s32 s2, $0x0  }
0x3c6: {  	s3 =	rddreg [dreg:$0x2];
	[bflag:$0x3] =	sbarrier.arrive $0xFFFF;
	s2 =	simm.s32 @!p0 $0x1C0D  }
0x3c7: {  	[timem:s3], [sflag:s2] =	dma.local @!p0 [hbm:s0], s1  }
0x3c8: {  	s0 =	simm.s32 @!p0 $0xD  }
0x3c9: {  	_ =	swait.ge @!p0 [sflag:s0], s1  }
0x3ca: {  	s1 =	ssub.s32 @!p0 $0x0, s1;
	[sflag:s0] =	ssyncset.done @!p0 $0x0  }
0x3cb: {  	[sflag:s0] =	ssyncadd.s32 @!p0 s1  }
0x3cc: {  	[bflag:$0x3] =	sbarrier.arrive $0xFFFF  }
0x3cd: {  	_ =	shalt  }

</sc_bundles>
